<compile_context>
chip_gen: v7x
topology: tpu7x:2x2x1
jax: 0.10.2.dev20260603
libtpu: 0.0.44.dev20260713+nightly
codegen_flags: <defaults>
</compile_context>

<pallas_src>
import jax
import jax.numpy as jnp
import numpy as np
from jax import lax
from jax.experimental import pallas as pl
from jax.experimental.pallas import tpu as pltpu
from jax.experimental.pallas import tpu_sc as plsc

_L = 16


def _make_pool_kernel(B, S, T, D, LSUB, S_PAD, LSUB_PAD, NC, NS):
    NW = NC * NS
    b_per_w = B // NW
    ND = D // _L
    DW = D // 2
    NDW = DW // _L
    GB = 8
    TH = T // 2
    HLEN = TH * S + 4
    HSTR = TH * S_PAD
    ngrp = b_per_w // GB
    mesh = plsc.VectorSubcoreMesh(core_axis_name="c", subcore_axis_name="s")

    def body(tri_ids, sub_ids, tri_tab, sub_tab, tri_out, sub_out,
             idx_v, sidx_v, buf, sbuf, out_v, sout_v,
             gsem0, gsem1, ssem, isem, issem):
        wid = lax.axis_index("c") * NS + lax.axis_index("s")
        b0 = wid * b_per_w
        izeros = tuple(jnp.zeros((_L,), jnp.int32) for _ in range(ND))

        def fire_half(gp, g, h, par, sem):
            pltpu.async_copy(tri_tab.at[idx_v.at[gp, g, h, pl.ds(0, HLEN)]],
                             buf.at[par], sem)

        def drain_half(gp, g, h, par, sem):
            pltpu.make_async_copy(
                tri_tab.at[idx_v.at[gp, g, h, pl.ds(0, HLEN)]], buf.at[par],
                sem).wait()

        def accum_half(par, g, t_base):
            def per_t(tt, _):
                def step(i, accs):
                    new = list(accs)
                    for k in range(5):
                        s = i * 5 + k
                        for dh in range(NDW):
                            u = buf[par, tt * S + s, pl.ds(dh * _L, _L)]
                            lo = (u << 16) >> 16
                            hi = u >> 16
                            new[2 * dh] = new[2 * dh] + lo
                            new[2 * dh + 1] = new[2 * dh + 1] + hi
                    return tuple(new)
                accs = lax.fori_loop(0, S // 5, step, izeros)
                for dd in range(ND):
                    out_v[g, t_base + tt, pl.ds(dd * _L, _L)] = accs[dd]
                return 0
            lax.fori_loop(0, TH, per_t, 0)

        pltpu.sync_copy(tri_ids.at[pl.ds(b0, GB)], idx_v.at[0])
        pltpu.sync_copy(sub_ids.at[pl.ds(b0, GB)], sidx_v.at[0])
        pltpu.async_copy(tri_ids.at[pl.ds(b0 + GB, GB)], idx_v.at[1], isem)
        pltpu.async_copy(sub_ids.at[pl.ds(b0 + GB, GB)], sidx_v.at[1], issem)
        fire_half(0, 0, 0, 0, gsem0)

        def per_b(b, _):
            grp = lax.div(b, GB)
            g = lax.rem(b, GB)
            gpar = lax.rem(grp, 2)
            pltpu.async_copy(sub_tab.at[sidx_v.at[gpar, g]], sbuf, ssem)
            fire_half(gpar, g, 1, 1, gsem1)
            drain_half(gpar, g, 0, 0, gsem0)
            accum_half(0, g, 0)

            @pl.when((g == GB - 1) & (grp < ngrp - 1))
            def _():
                pltpu.make_async_copy(tri_ids.at[pl.ds(b0, GB)],
                                      idx_v.at[1 - gpar], isem).wait()
                pltpu.make_async_copy(sub_ids.at[pl.ds(b0, GB)],
                                      sidx_v.at[1 - gpar], issem).wait()

            @pl.when(b < b_per_w - 1)
            def _():
                b1 = b + 1
                gp1 = lax.rem(lax.div(b1, GB), 2)
                g1 = lax.rem(b1, GB)
                fire_half(gp1, g1, 0, 0, gsem0)

            drain_half(gpar, g, 1, 1, gsem1)
            accum_half(1, g, TH)

            pltpu.make_async_copy(sub_tab.at[sidx_v.at[gpar, g]], sbuf,
                                  ssem).wait()
            def sstep(i, accs):
                new = list(accs)
                for k in range(5):
                    s = i * 5 + k
                    for dh in range(NDW):
                        u = sbuf[s, pl.ds(dh * _L, _L)]
                        lo = (u << 16) >> 16
                        hi = u >> 16
                        new[2 * dh] = new[2 * dh] + lo
                        new[2 * dh + 1] = new[2 * dh + 1] + hi
                return tuple(new)
            saccs = lax.fori_loop(0, LSUB // 5, sstep, izeros)
            for dd in range(ND):
                sout_v[g, pl.ds(dd * _L, _L)] = saccs[dd]

            @pl.when((g == 0) & (grp >= 1) & (grp < ngrp - 1))
            def _():
                nb = b0 + (grp + 1) * GB
                pltpu.async_copy(tri_ids.at[pl.ds(nb, GB)],
                                 idx_v.at[1 - gpar], isem)
                pltpu.async_copy(sub_ids.at[pl.ds(nb, GB)],
                                 sidx_v.at[1 - gpar], issem)

            @pl.when(g == GB - 1)
            def _():
                gb = b0 + grp * GB
                pltpu.sync_copy(out_v, tri_out.at[pl.ds(gb, GB)])
                pltpu.sync_copy(sout_v, sub_out.at[pl.ds(gb, GB)])
            return 0

        lax.fori_loop(0, b_per_w, per_b, 0)

    return pl.kernel(
        body,
        out_type=(jax.ShapeDtypeStruct((B, T, D), jnp.int32),
                  jax.ShapeDtypeStruct((B, D), jnp.int32)),
        mesh=mesh,
        compiler_params=pltpu.CompilerParams(use_tc_tiling_on_sc=False),
        scratch_types=[
            pltpu.VMEM((2, GB, 2, HSTR), jnp.int32),
            pltpu.VMEM((2, GB, LSUB_PAD), jnp.int32),
            pltpu.VMEM((2, HLEN, DW), jnp.int32),
            pltpu.VMEM((LSUB_PAD, DW), jnp.int32),
            pltpu.VMEM((GB, T, D), jnp.int32),
            pltpu.VMEM((GB, D), jnp.int32),
            pltpu.SemaphoreType.DMA,
            pltpu.SemaphoreType.DMA,
            pltpu.SemaphoreType.DMA,
            pltpu.SemaphoreType.DMA,
            pltpu.SemaphoreType.DMA,
        ],
    )



def _make_mlp_kernel(B, BM, TD, D, H):
    def body(x_ref, sub_ref, w1_ref, b1_ref, w2s_ref, w2t_ref, b2_ref,
             w3_ref, b3_ref, o_ref):
        x = x_ref[...].astype(jnp.float32)
        h1 = jnp.dot(x, w1_ref[...],
                     preferred_element_type=jnp.float32) + b1_ref[...]
        h1 = jnp.maximum(h1, 0.0)
        h2 = (jnp.dot(sub_ref[...], w2s_ref[...],
                      preferred_element_type=jnp.float32)
              + jnp.dot(h1, w2t_ref[...], preferred_element_type=jnp.float32)
              + b2_ref[...])
        h2 = jnp.maximum(h2, 0.0)
        o_ref[...] = jnp.dot(h2, w3_ref[...],
                             preferred_element_type=jnp.float32) + b3_ref[...]

    fixed = lambda i: (0, 0)
    return pl.pallas_call(
        body,
        grid=(B // BM,),
        in_specs=[
            pl.BlockSpec((BM, TD), lambda i: (i, 0)),
            pl.BlockSpec((BM, D), lambda i: (i, 0)),
            pl.BlockSpec((TD, 128), fixed),
            pl.BlockSpec((1, 128), fixed),
            pl.BlockSpec((D, H), fixed),
            pl.BlockSpec((128, H), fixed),
            pl.BlockSpec((1, H), fixed),
            pl.BlockSpec((H, 128), fixed),
            pl.BlockSpec((1, 128), fixed),
        ],
        out_specs=pl.BlockSpec((BM, 128), lambda i: (i, 0)),
        out_shape=jax.ShapeDtypeStruct((B, 128), jnp.float32),
    )


def kernel(subreddit_ids, trigram_ids, trigram_table, subreddit_table,
           W1, b1, W2, b2, W3, b3):
    B, S, T = trigram_ids.shape
    V, D = trigram_table.shape
    LSUB = subreddit_ids.shape[1]
    H = W2.shape[1]
    C = W3.shape[1]
    TD = T * D
    S_PAD = 52
    LSUB_PAD = 24
    tri = jnp.transpose(trigram_ids, (0, 2, 1)).reshape(B, 2, (T // 2) * S)
    tri = jnp.pad(tri, ((0, 0), (0, 0), (0, (T // 2) * (S_PAD - S))))
    sub = jnp.pad(subreddit_ids, ((0, 0), (0, LSUB_PAD - LSUB)))

    def quantize(tab):
        amax = jnp.max(jnp.abs(tab))
        sc = 32000.0 / jnp.maximum(amax, 1e-30)
        q = jnp.clip(jnp.round(tab * sc), -32767.0, 32767.0).astype(jnp.int32)
        return (q[:, :D // 2] & 0xFFFF) | (q[:, D // 2:] << 16), sc
    tri_tab_i32, scale = quantize(trigram_table)
    sub_tab_i32, sscale = quantize(subreddit_table)

    info = plsc.get_sparse_core_info()
    pool = _make_pool_kernel(B, S, T, D, LSUB, S_PAD, LSUB_PAD,
                             info.num_cores, info.num_subcores)
    tri_sum, sub_sum = pool(tri, sub, tri_tab_i32, sub_tab_i32)

    perm64 = np.concatenate([np.arange(0, 16), np.arange(32, 48),
                             np.arange(16, 32), np.arange(48, 64)])
    full_perm = (np.arange(T)[:, None] * D + perm64[None, :]).reshape(-1)
    W1p = jnp.pad(W1[full_perm] * (1.0 / (S * scale)), ((0, 0), (0, 128 - T)))
    b1p = jnp.pad(b1, (0, 128 - T))[None, :]
    W2s = W2[:D][perm64] * (1.0 / (LSUB * sscale))
    W2t = jnp.pad(W2[D:], ((0, 128 - T), (0, 0)))
    b2p = b2[None, :]
    W3p = jnp.pad(W3, ((0, 0), (0, 128 - C)))
    b3p = jnp.pad(b3, (0, 128 - C))[None, :]

    mlp = _make_mlp_kernel(B, 256, TD, D, H)
    out = mlp(tri_sum.reshape(B, TD), sub_sum, W1p, b1p, W2s, W2t, b2p,
              W3p, b3p)
    return out[:, :C]

# --- scband reference (transcript-rebuilt; emitter-appended) ---
"""Pipeline reference for scband-trigram-text-score-model-89292370084009 (READ-ONLY COPY).

The authoritative reference and input builder live on the scoring server;
editing this copy changes nothing except your own understanding.
"""

import jax, jax.numpy as jnp
import numpy as np

B = 4096
S = 50
T = 20
D = 64
H = 64
C = 2
V = 100000
LSUB = 20

def setup_inputs(seed: int = 0):
    key = jax.random.key(seed)
    ks = jax.random.split(key, 12)
    subreddit_ids = jax.random.randint(ks[0], (B, LSUB), 0, V, dtype=jnp.int32)
    trigram_ids = jax.random.randint(ks[1], (B, S, T), 0, V, dtype=jnp.int32)
    trigram_table = jax.random.normal(ks[2], (V, D), dtype=jnp.float32) * 0.02
    subreddit_table = jax.random.normal(ks[3], (V, D), dtype=jnp.float32) * 0.02
    W1 = jax.random.normal(ks[4], (T * D, T), dtype=jnp.float32) * (1.0 / np.sqrt(T * D))
    b1 = jnp.zeros((T,), dtype=jnp.float32)
    W2 = jax.random.normal(ks[5], (T + H, H), dtype=jnp.float32) * (1.0 / np.sqrt(T + H))
    b2 = jnp.zeros((H,), dtype=jnp.float32)
    W3 = jax.random.normal(ks[6], (H, C), dtype=jnp.float32) * (1.0 / np.sqrt(H))
    b3 = jnp.zeros((C,), dtype=jnp.float32)
    return {
        "subreddit_ids": subreddit_ids,
        "trigram_ids": trigram_ids,
        "trigram_table": trigram_table,
        "subreddit_table": subreddit_table,
        "W1": W1, "b1": b1,
        "W2": W2, "b2": b2,
        "W3": W3, "b3": b3,
    }

def reference(subreddit_ids, trigram_ids, trigram_table, subreddit_table, W1, b1, W2, b2, W3, b3):
    trigram_embeds = jnp.take(trigram_table, trigram_ids, axis=0)      # [B, S, T, D]
    subreddit_embeds = jnp.take(subreddit_table, subreddit_ids, axis=0)  # [B, LSUB, D]
    subreddit_features = subreddit_embeds.mean(axis=1)                  # [B, D]
    trigrams_features = trigram_embeds.reshape(B, S, -1).mean(axis=1)   # [B, T*D]
    trigrams_features = jax.nn.relu(trigrams_features @ W1 + b1)        # [B, T]
    combined_features = jnp.concatenate([subreddit_features, trigrams_features], axis=-1)  # [B, D+T]
    hidden = jax.nn.relu(combined_features @ W2 + b2)                   # [B, H]
    output = hidden @ W3 + b3                                           # [B, C]
    return output

if __name__ == "__main__":
    import jax
    _d = setup_inputs()
    print(jax.jit(kernel)(*tuple(_d.values())))

</pallas_src>

<mosaic_0001>
#map = affine_map<(d0, d1) -> (0, 0, 0)>
#map1 = affine_map<(d0, d1) -> (0, 0)>
module attributes {stable_mosaic.version = 14 : i64} {
  func.func @body(%arg0: i32, %arg1: i32, %arg2: memref<4096x2x520xi32, #tpu.memory_space<hbm>>, %arg3: memref<4096x24xi32, #tpu.memory_space<hbm>>, %arg4: memref<100000x32xi32, #tpu.memory_space<hbm>>, %arg5: memref<100000x32xi32, #tpu.memory_space<hbm>>, %arg6: memref<4096x20x64xi32, #tpu.memory_space<hbm>>, %arg7: memref<4096x64xi32, #tpu.memory_space<hbm>>, %arg8: memref<2x8x2x520xi32, #tpu.memory_space<vmem>>, %arg9: memref<2x8x24xi32, #tpu.memory_space<vmem>>, %arg10: memref<2x504x32xi32, #tpu.memory_space<vmem>>, %arg11: memref<24x32xi32, #tpu.memory_space<vmem>>, %arg12: memref<8x20x64xi32, #tpu.memory_space<vmem>>, %arg13: memref<8x64xi32, #tpu.memory_space<vmem>>, %arg14: memref<!tpu.dma_semaphore, #tpu.memory_space<semaphore_mem>>, %arg15: memref<!tpu.dma_semaphore, #tpu.memory_space<semaphore_mem>>, %arg16: memref<!tpu.dma_semaphore, #tpu.memory_space<semaphore_mem>>, %arg17: memref<!tpu.dma_semaphore, #tpu.memory_space<semaphore_mem>>, %arg18: memref<!tpu.dma_semaphore, #tpu.memory_space<semaphore_mem>>) attributes {dimension_semantics = [#tpu.dimension_semantics<core_parallel>, #tpu.dimension_semantics<subcore_parallel>], iteration_bounds = array<i64: 2, 16>, scalar_prefetch = 0 : i64, scratch_operands = 11 : i64, tpu.core_type = #tpu.core_type<sc_vector_subcore>, window_params = [{transform_indices = #map}, {transform_indices = #map1}, {transform_indices = #map1}, {transform_indices = #map1}, {transform_indices = #map}, {transform_indices = #map1}]} {
    %mul3A = arith.constant 16 : i32
    %mul3A_0 = arith.muli %arg0, %mul3A : i32
    %add3A = arith.addi %mul3A_0, %arg1 : i32
    %mul3A_1 = arith.constant 128 : i32
    %mul3A_2 = arith.muli %add3A, %mul3A_1 : i32
    %broadcast_in_dim3A = arith.constant 0 : i32
    %broadcast_in_dim3A_3 = vector.broadcast %broadcast_in_dim3A : i32 to vector<16xi32>
    %broadcast_in_dim3A_4 = arith.constant 0 : i32
    %broadcast_in_dim3A_5 = vector.broadcast %broadcast_in_dim3A_4 : i32 to vector<16xi32>
    %broadcast_in_dim3A_6 = arith.constant 0 : i32
    %broadcast_in_dim3A_7 = vector.broadcast %broadcast_in_dim3A_6 : i32 to vector<16xi32>
    %broadcast_in_dim3A_8 = arith.constant 0 : i32
    %broadcast_in_dim3A_9 = vector.broadcast %broadcast_in_dim3A_8 : i32 to vector<16xi32>
    %run_scoped3A = arith.constant 0 : i32
    "tpu.region"() ({
      %run_scoped3A_64 = tpu.sem_alloc : memref<!tpu.dma_semaphore, #tpu.memory_space<semaphore_mem>>
      %dma_start3A_65 = arith.constant 0 : i32
      %dma_start3A_66 = arith.constant 0 : i32
      %dma_start3A_67 = arith.constant 0 : i32
      %dma_start3A_68 = tpu.memref_slice %arg8[%run_scoped3A, %dma_start3A_65, %dma_start3A_66, %dma_start3A_67] : memref<2x8x2x520xi32, #tpu.memory_space<vmem>> -> memref<1x8x2x520xi32, #tpu.memory_space<vmem>>
      %dma_start3A_69 = tpu.memref_squeeze %dma_start3A_68 : memref<1x8x2x520xi32, #tpu.memory_space<vmem>> -> memref<8x2x520xi32, #tpu.memory_space<vmem>>
      %dma_start3A_70 = arith.constant 0 : i32
      %dma_start3A_71 = arith.constant 0 : i32
      %dma_start3A_72 = tpu.memref_slice %arg2[%mul3A_2, %dma_start3A_70, %dma_start3A_71] : memref<4096x2x520xi32, #tpu.memory_space<hbm>> -> memref<8x2x520xi32, #tpu.memory_space<hbm>>
      %dma_start3A_73 = arith.constant 0 : i32
      %dma_start3A_74 = arith.constant 0 : i32
      %dma_start3A_75 = arith.constant 0 : i32
      %dma_start3A_76 = tpu.memref_slice %arg8[%run_scoped3A, %dma_start3A_73, %dma_start3A_74, %dma_start3A_75] : memref<2x8x2x520xi32, #tpu.memory_space<vmem>> -> memref<1x8x2x520xi32, #tpu.memory_space<vmem>>
      %dma_start3A_77 = tpu.memref_squeeze %dma_start3A_76 : memref<1x8x2x520xi32, #tpu.memory_space<vmem>> -> memref<8x2x520xi32, #tpu.memory_space<vmem>>
      %dma_start3A_78 = arith.constant 0 : i32
      %dma_start3A_79 = arith.constant 0 : i32
      %dma_start3A_80 = tpu.memref_slice %arg2[%mul3A_2, %dma_start3A_78, %dma_start3A_79] : memref<4096x2x520xi32, #tpu.memory_space<hbm>> -> memref<8x2x520xi32, #tpu.memory_space<hbm>>
      tpu.enqueue_dma source(%dma_start3A_80 : memref<8x2x520xi32, #tpu.memory_space<hbm>>) target(%dma_start3A_77 : memref<8x2x520xi32, #tpu.memory_space<vmem>>) target_semaphore(%run_scoped3A_64 : memref<!tpu.dma_semaphore, #tpu.memory_space<semaphore_mem>>)
      %dma_wait3A = arith.constant 0 : i32
      %dma_wait3A_81 = arith.constant 0 : i32
      %dma_wait3A_82 = arith.constant 0 : i32
      %dma_wait3A_83 = tpu.memref_slice %arg8[%run_scoped3A, %dma_wait3A, %dma_wait3A_81, %dma_wait3A_82] : memref<2x8x2x520xi32, #tpu.memory_space<vmem>> -> memref<1x8x2x520xi32, #tpu.memory_space<vmem>>
      %dma_wait3A_84 = tpu.memref_squeeze %dma_wait3A_83 : memref<1x8x2x520xi32, #tpu.memory_space<vmem>> -> memref<8x2x520xi32, #tpu.memory_space<vmem>>
      %dma_wait3A_85 = arith.constant 0 : i32
      %dma_wait3A_86 = arith.constant 0 : i32
      %dma_wait3A_87 = tpu.memref_slice %arg2[%mul3A_2, %dma_wait3A_85, %dma_wait3A_86] : memref<4096x2x520xi32, #tpu.memory_space<hbm>> -> memref<8x2x520xi32, #tpu.memory_space<hbm>>
      %dma_wait3A_88 = arith.constant 0 : i32
      %dma_wait3A_89 = arith.constant 0 : i32
      %dma_wait3A_90 = arith.constant 0 : i32
      %dma_wait3A_91 = tpu.memref_slice %arg8[%run_scoped3A, %dma_wait3A_88, %dma_wait3A_89, %dma_wait3A_90] : memref<2x8x2x520xi32, #tpu.memory_space<vmem>> -> memref<1x8x2x520xi32, #tpu.memory_space<vmem>>
      %dma_wait3A_92 = tpu.memref_squeeze %dma_wait3A_91 : memref<1x8x2x520xi32, #tpu.memory_space<vmem>> -> memref<8x2x520xi32, #tpu.memory_space<vmem>>
      %dma_wait3A_93 = arith.constant 0 : i32
      %dma_wait3A_94 = arith.constant 0 : i32
      %dma_wait3A_95 = tpu.memref_slice %arg2[%mul3A_2, %dma_wait3A_93, %dma_wait3A_94] : memref<4096x2x520xi32, #tpu.memory_space<hbm>> -> memref<8x2x520xi32, #tpu.memory_space<hbm>>
      tpu.wait_dma2 semaphore(%run_scoped3A_64 : memref<!tpu.dma_semaphore, #tpu.memory_space<semaphore_mem>>) src(%dma_wait3A_95 : memref<8x2x520xi32, #tpu.memory_space<hbm>>) dst(%dma_wait3A_92 : memref<8x2x520xi32, #tpu.memory_space<vmem>>)
      tpu.yield
    }) : () -> ()
    %run_scoped3A_10 = arith.constant 0 : i32
    "tpu.region"() ({
      %run_scoped3A_64 = tpu.sem_alloc : memref<!tpu.dma_semaphore, #tpu.memory_space<semaphore_mem>>
      %dma_start3A_65 = arith.constant 0 : i32
      %dma_start3A_66 = arith.constant 0 : i32
      %dma_start3A_67 = tpu.memref_slice %arg9[%run_scoped3A_10, %dma_start3A_65, %dma_start3A_66] : memref<2x8x24xi32, #tpu.memory_space<vmem>> -> memref<1x8x24xi32, #tpu.memory_space<vmem>>
      %dma_start3A_68 = tpu.memref_squeeze %dma_start3A_67 : memref<1x8x24xi32, #tpu.memory_space<vmem>> -> memref<8x24xi32, #tpu.memory_space<vmem>>
      %dma_start3A_69 = arith.constant 0 : i32
      %dma_start3A_70 = tpu.memref_slice %arg3[%mul3A_2, %dma_start3A_69] : memref<4096x24xi32, #tpu.memory_space<hbm>> -> memref<8x24xi32, #tpu.memory_space<hbm>>
      %dma_start3A_71 = arith.constant 0 : i32
      %dma_start3A_72 = arith.constant 0 : i32
      %dma_start3A_73 = tpu.memref_slice %arg9[%run_scoped3A_10, %dma_start3A_71, %dma_start3A_72] : memref<2x8x24xi32, #tpu.memory_space<vmem>> -> memref<1x8x24xi32, #tpu.memory_space<vmem>>
      %dma_start3A_74 = tpu.memref_squeeze %dma_start3A_73 : memref<1x8x24xi32, #tpu.memory_space<vmem>> -> memref<8x24xi32, #tpu.memory_space<vmem>>
      %dma_start3A_75 = arith.constant 0 : i32
      %dma_start3A_76 = tpu.memref_slice %arg3[%mul3A_2, %dma_start3A_75] : memref<4096x24xi32, #tpu.memory_space<hbm>> -> memref<8x24xi32, #tpu.memory_space<hbm>>
      tpu.enqueue_dma source(%dma_start3A_76 : memref<8x24xi32, #tpu.memory_space<hbm>>) target(%dma_start3A_74 : memref<8x24xi32, #tpu.memory_space<vmem>>) target_semaphore(%run_scoped3A_64 : memref<!tpu.dma_semaphore, #tpu.memory_space<semaphore_mem>>)
      %dma_wait3A = arith.constant 0 : i32
      %dma_wait3A_77 = arith.constant 0 : i32
      %dma_wait3A_78 = tpu.memref_slice %arg9[%run_scoped3A_10, %dma_wait3A, %dma_wait3A_77] : memref<2x8x24xi32, #tpu.memory_space<vmem>> -> memref<1x8x24xi32, #tpu.memory_space<vmem>>
      %dma_wait3A_79 = tpu.memref_squeeze %dma_wait3A_78 : memref<1x8x24xi32, #tpu.memory_space<vmem>> -> memref<8x24xi32, #tpu.memory_space<vmem>>
      %dma_wait3A_80 = arith.constant 0 : i32
      %dma_wait3A_81 = tpu.memref_slice %arg3[%mul3A_2, %dma_wait3A_80] : memref<4096x24xi32, #tpu.memory_space<hbm>> -> memref<8x24xi32, #tpu.memory_space<hbm>>
      %dma_wait3A_82 = arith.constant 0 : i32
      %dma_wait3A_83 = arith.constant 0 : i32
      %dma_wait3A_84 = tpu.memref_slice %arg9[%run_scoped3A_10, %dma_wait3A_82, %dma_wait3A_83] : memref<2x8x24xi32, #tpu.memory_space<vmem>> -> memref<1x8x24xi32, #tpu.memory_space<vmem>>
      %dma_wait3A_85 = tpu.memref_squeeze %dma_wait3A_84 : memref<1x8x24xi32, #tpu.memory_space<vmem>> -> memref<8x24xi32, #tpu.memory_space<vmem>>
      %dma_wait3A_86 = arith.constant 0 : i32
      %dma_wait3A_87 = tpu.memref_slice %arg3[%mul3A_2, %dma_wait3A_86] : memref<4096x24xi32, #tpu.memory_space<hbm>> -> memref<8x24xi32, #tpu.memory_space<hbm>>
      tpu.wait_dma2 semaphore(%run_scoped3A_64 : memref<!tpu.dma_semaphore, #tpu.memory_space<semaphore_mem>>) src(%dma_wait3A_87 : memref<8x24xi32, #tpu.memory_space<hbm>>) dst(%dma_wait3A_85 : memref<8x24xi32, #tpu.memory_space<vmem>>)
      tpu.yield
    }) : () -> ()
    %add3A_11 = arith.constant 8 : i32
    %add3A_12 = arith.addi %mul3A_2, %add3A_11 : i32
    %dma_start3A = arith.constant 1 : i32
    %dma_start3A_13 = arith.constant 0 : i32
    %dma_start3A_14 = arith.constant 0 : i32
    %dma_start3A_15 = arith.constant 0 : i32
    %dma_start3A_16 = tpu.memref_slice %arg8[%dma_start3A, %dma_start3A_13, %dma_start3A_14, %dma_start3A_15] : memref<2x8x2x520xi32, #tpu.memory_space<vmem>> -> memref<1x8x2x520xi32, #tpu.memory_space<vmem>>
    %dma_start3A_17 = tpu.memref_squeeze %dma_start3A_16 : memref<1x8x2x520xi32, #tpu.memory_space<vmem>> -> memref<8x2x520xi32, #tpu.memory_space<vmem>>
    %dma_start3A_18 = arith.constant 0 : i32
    %dma_start3A_19 = arith.constant 0 : i32
    %dma_start3A_20 = tpu.memref_slice %arg2[%add3A_12, %dma_start3A_18, %dma_start3A_19] : memref<4096x2x520xi32, #tpu.memory_space<hbm>> -> memref<8x2x520xi32, #tpu.memory_space<hbm>>
    %dma_start3A_21 = arith.constant 0 : i32
    %dma_start3A_22 = arith.constant 0 : i32
    %dma_start3A_23 = arith.constant 0 : i32
    %dma_start3A_24 = tpu.memref_slice %arg8[%dma_start3A, %dma_start3A_21, %dma_start3A_22, %dma_start3A_23] : memref<2x8x2x520xi32, #tpu.memory_space<vmem>> -> memref<1x8x2x520xi32, #tpu.memory_space<vmem>>
    %dma_start3A_25 = tpu.memref_squeeze %dma_start3A_24 : memref<1x8x2x520xi32, #tpu.memory_space<vmem>> -> memref<8x2x520xi32, #tpu.memory_space<vmem>>
    %dma_start3A_26 = arith.constant 0 : i32
    %dma_start3A_27 = arith.constant 0 : i32
    %dma_start3A_28 = tpu.memref_slice %arg2[%add3A_12, %dma_start3A_26, %dma_start3A_27] : memref<4096x2x520xi32, #tpu.memory_space<hbm>> -> memref<8x2x520xi32, #tpu.memory_space<hbm>>
    tpu.enqueue_dma source(%dma_start3A_28 : memref<8x2x520xi32, #tpu.memory_space<hbm>>) target(%dma_start3A_25 : memref<8x2x520xi32, #tpu.memory_space<vmem>>) target_semaphore(%arg17 : memref<!tpu.dma_semaphore, #tpu.memory_space<semaphore_mem>>)
    %add3A_29 = arith.constant 8 : i32
    %add3A_30 = arith.addi %mul3A_2, %add3A_29 : i32
    %dma_start3A_31 = arith.constant 1 : i32
    %dma_start3A_32 = arith.constant 0 : i32
    %dma_start3A_33 = arith.constant 0 : i32
    %dma_start3A_34 = tpu.memref_slice %arg9[%dma_start3A_31, %dma_start3A_32, %dma_start3A_33] : memref<2x8x24xi32, #tpu.memory_space<vmem>> -> memref<1x8x24xi32, #tpu.memory_space<vmem>>
    %dma_start3A_35 = tpu.memref_squeeze %dma_start3A_34 : memref<1x8x24xi32, #tpu.memory_space<vmem>> -> memref<8x24xi32, #tpu.memory_space<vmem>>
    %dma_start3A_36 = arith.constant 0 : i32
    %dma_start3A_37 = tpu.memref_slice %arg3[%add3A_30, %dma_start3A_36] : memref<4096x24xi32, #tpu.memory_space<hbm>> -> memref<8x24xi32, #tpu.memory_space<hbm>>
    %dma_start3A_38 = arith.constant 0 : i32
    %dma_start3A_39 = arith.constant 0 : i32
    %dma_start3A_40 = tpu.memref_slice %arg9[%dma_start3A_31, %dma_start3A_38, %dma_start3A_39] : memref<2x8x24xi32, #tpu.memory_space<vmem>> -> memref<1x8x24xi32, #tpu.memory_space<vmem>>
    %dma_start3A_41 = tpu.memref_squeeze %dma_start3A_40 : memref<1x8x24xi32, #tpu.memory_space<vmem>> -> memref<8x24xi32, #tpu.memory_space<vmem>>
    %dma_start3A_42 = arith.constant 0 : i32
    %dma_start3A_43 = tpu.memref_slice %arg3[%add3A_30, %dma_start3A_42] : memref<4096x24xi32, #tpu.memory_space<hbm>> -> memref<8x24xi32, #tpu.memory_space<hbm>>
    tpu.enqueue_dma source(%dma_start3A_43 : memref<8x24xi32, #tpu.memory_space<hbm>>) target(%dma_start3A_41 : memref<8x24xi32, #tpu.memory_space<vmem>>) target_semaphore(%arg18 : memref<!tpu.dma_semaphore, #tpu.memory_space<semaphore_mem>>)
    %dma_start3A_44 = arith.constant 0 : i32
    %dma_start3A_45 = arith.constant 0 : i32
    %dma_start3A_46 = arith.constant 0 : i32
    %dma_start3A_47 = arith.constant 0 : i32
    %dma_start3A_48 = arith.constant 0 : i32
    %dma_start3A_49 = arith.constant 0 : i32
    %dma_start3A_50 = tpu.memref_slice %arg10[%dma_start3A_47, %dma_start3A_48, %dma_start3A_49] : memref<2x504x32xi32, #tpu.memory_space<vmem>> -> memref<1x504x32xi32, #tpu.memory_space<vmem>>
    %dma_start3A_51 = tpu.memref_squeeze %dma_start3A_50 : memref<1x504x32xi32, #tpu.memory_space<vmem>> -> memref<504x32xi32, #tpu.memory_space<vmem>>
    %dma_start3A_52 = arith.constant 0 : i32
    %dma_start3A_53 = tpu.memref_slice %arg8[%dma_start3A_44, %dma_start3A_45, %dma_start3A_46, %dma_start3A_52] : memref<2x8x2x520xi32, #tpu.memory_space<vmem>> -> memref<1x1x1x504xi32, #tpu.memory_space<vmem>>
    %dma_start3A_54 = tpu.memref_squeeze %dma_start3A_53 : memref<1x1x1x504xi32, #tpu.memory_space<vmem>> -> memref<504xi32, #tpu.memory_space<vmem>>
    %dma_start3A_55 = arith.constant 0 : i32
    %dma_start3A_56 = arith.constant 0 : i32
    %dma_start3A_57 = tpu.memref_slice %arg4[%dma_start3A_55, %dma_start3A_56] : memref<100000x32xi32, #tpu.memory_space<hbm>> -> memref<100000x32xi32, #tpu.memory_space<hbm>>
    tpu.enqueue_indirect_dma source(%dma_start3A_57 : memref<100000x32xi32, #tpu.memory_space<hbm>>) target(%dma_start3A_51 : memref<504x32xi32, #tpu.memory_space<vmem>>) offsets(%dma_start3A_54 : memref<504xi32, #tpu.memory_space<vmem>>) semaphore(%arg14 : memref<!tpu.dma_semaphore, #tpu.memory_space<semaphore_mem>>)
    %scan3A = arith.constant 0 : i32
    %scan3A_58 = arith.constant 0 : i32
    %scan3A_59 = arith.constant 128 : i32
    %scan3A_60 = arith.addi %scan3A_58, %scan3A_59 : i32
    %scan3A_61 = arith.constant 1 : i32
    %scan3A_62 = scf.for %scan3A_64 = %scan3A_58 to %scan3A_60 step %scan3A_61 iter_args(%scan3A_65 = %scan3A) -> (i32)  : i32 {
      %div3A = arith.constant 8 : i32
      %div3A_66 = arith.divsi %scan3A_64, %div3A : i32
      %rem3A = arith.constant 8 : i32
      %rem3A_67 = arith.remsi %scan3A_64, %rem3A : i32
      %rem3A_68 = arith.constant 2 : i32
      %rem3A_69 = arith.remsi %div3A_66, %rem3A_68 : i32
      %dma_start3A_70 = arith.constant 0 : i32
      %dma_start3A_71 = tpu.memref_slice %arg9[%rem3A_69, %rem3A_67, %dma_start3A_70] : memref<2x8x24xi32, #tpu.memory_space<vmem>> -> memref<1x1x24xi32, #tpu.memory_space<vmem>>
      %dma_start3A_72 = tpu.memref_squeeze %dma_start3A_71 : memref<1x1x24xi32, #tpu.memory_space<vmem>> -> memref<24xi32, #tpu.memory_space<vmem>>
      %dma_start3A_73 = arith.constant 0 : i32
      %dma_start3A_74 = arith.constant 0 : i32
      %dma_start3A_75 = tpu.memref_slice %arg5[%dma_start3A_73, %dma_start3A_74] : memref<100000x32xi32, #tpu.memory_space<hbm>> -> memref<100000x32xi32, #tpu.memory_space<hbm>>
      tpu.enqueue_indirect_dma source(%dma_start3A_75 : memref<100000x32xi32, #tpu.memory_space<hbm>>) target(%arg11 : memref<24x32xi32, #tpu.memory_space<vmem>>) offsets(%dma_start3A_72 : memref<24xi32, #tpu.memory_space<vmem>>) semaphore(%arg16 : memref<!tpu.dma_semaphore, #tpu.memory_space<semaphore_mem>>)
      %dma_start3A_76 = arith.constant 1 : i32
      %dma_start3A_77 = arith.constant 1 : i32
      %dma_start3A_78 = arith.constant 0 : i32
      %dma_start3A_79 = arith.constant 0 : i32
      %dma_start3A_80 = tpu.memref_slice %arg10[%dma_start3A_77, %dma_start3A_78, %dma_start3A_79] : memref<2x504x32xi32, #tpu.memory_space<vmem>> -> memref<1x504x32xi32, #tpu.memory_space<vmem>>
      %dma_start3A_81 = tpu.memref_squeeze %dma_start3A_80 : memref<1x504x32xi32, #tpu.memory_space<vmem>> -> memref<504x32xi32, #tpu.memory_space<vmem>>
      %dma_start3A_82 = arith.constant 0 : i32
      %dma_start3A_83 = tpu.memref_slice %arg8[%rem3A_69, %rem3A_67, %dma_start3A_76, %dma_start3A_82] : memref<2x8x2x520xi32, #tpu.memory_space<vmem>> -> memref<1x1x1x504xi32, #tpu.memory_space<vmem>>
      %dma_start3A_84 = tpu.memref_squeeze %dma_start3A_83 : memref<1x1x1x504xi32, #tpu.memory_space<vmem>> -> memref<504xi32, #tpu.memory_space<vmem>>
      %dma_start3A_85 = arith.constant 0 : i32
      %dma_start3A_86 = arith.constant 0 : i32
      %dma_start3A_87 = tpu.memref_slice %arg4[%dma_start3A_85, %dma_start3A_86] : memref<100000x32xi32, #tpu.memory_space<hbm>> -> memref<100000x32xi32, #tpu.memory_space<hbm>>
      tpu.enqueue_indirect_dma source(%dma_start3A_87 : memref<100000x32xi32, #tpu.memory_space<hbm>>) target(%dma_start3A_81 : memref<504x32xi32, #tpu.memory_space<vmem>>) offsets(%dma_start3A_84 : memref<504xi32, #tpu.memory_space<vmem>>) semaphore(%arg15 : memref<!tpu.dma_semaphore, #tpu.memory_space<semaphore_mem>>)
      %dma_wait3A = arith.constant 0 : i32
      %dma_wait3A_88 = arith.constant 0 : i32
      %dma_wait3A_89 = arith.constant 0 : i32
      %dma_wait3A_90 = arith.constant 0 : i32
      %dma_wait3A_91 = tpu.memref_slice %arg10[%dma_wait3A_88, %dma_wait3A_89, %dma_wait3A_90] : memref<2x504x32xi32, #tpu.memory_space<vmem>> -> memref<1x504x32xi32, #tpu.memory_space<vmem>>
      %dma_wait3A_92 = tpu.memref_squeeze %dma_wait3A_91 : memref<1x504x32xi32, #tpu.memory_space<vmem>> -> memref<504x32xi32, #tpu.memory_space<vmem>>
      %dma_wait3A_93 = arith.constant 0 : i32
      %dma_wait3A_94 = tpu.memref_slice %arg8[%rem3A_69, %rem3A_67, %dma_wait3A, %dma_wait3A_93] : memref<2x8x2x520xi32, #tpu.memory_space<vmem>> -> memref<1x1x1x504xi32, #tpu.memory_space<vmem>>
      %dma_wait3A_95 = tpu.memref_squeeze %dma_wait3A_94 : memref<1x1x1x504xi32, #tpu.memory_space<vmem>> -> memref<504xi32, #tpu.memory_space<vmem>>
      %dma_wait3A_96 = arith.constant 0 : i32
      %dma_wait3A_97 = arith.constant 0 : i32
      %dma_wait3A_98 = tpu.memref_slice %arg4[%dma_wait3A_96, %dma_wait3A_97] : memref<100000x32xi32, #tpu.memory_space<hbm>> -> memref<100000x32xi32, #tpu.memory_space<hbm>>
      tpu.wait_indirect_dma semaphore(%arg14 : memref<!tpu.dma_semaphore, #tpu.memory_space<semaphore_mem>>) src(%dma_wait3A_98 : memref<100000x32xi32, #tpu.memory_space<hbm>>) dst(%dma_wait3A_92 : memref<504x32xi32, #tpu.memory_space<vmem>>)
      %scan3A_99 = arith.constant 0 : i32
      %scan3A_100 = arith.constant 0 : i32
      %scan3A_101 = arith.constant 10 : i32
      %scan3A_102 = arith.addi %scan3A_100, %scan3A_101 : i32
      %scan3A_103 = arith.constant 1 : i32
      %scan3A_104 = scf.for %scan3A_180 = %scan3A_100 to %scan3A_102 step %scan3A_103 iter_args(%scan3A_181 = %scan3A_99) -> (i32)  : i32 {
        %scan3A_182 = arith.constant 0 : i32
        %scan3A_183 = arith.constant 10 : i32
        %scan3A_184 = arith.addi %scan3A_182, %scan3A_183 : i32
        %scan3A_185 = arith.constant 1 : i32
        %scan3A_186:4 = scf.for %scan3A_221 = %scan3A_182 to %scan3A_184 step %scan3A_185 iter_args(%scan3A_222 = %broadcast_in_dim3A_3, %scan3A_223 = %broadcast_in_dim3A_5, %scan3A_224 = %broadcast_in_dim3A_7, %scan3A_225 = %broadcast_in_dim3A_9) -> (vector<16xi32>, vector<16xi32>, vector<16xi32>, vector<16xi32>)  : i32 {
          %mul3A_226 = arith.constant 5 : i32
          %mul3A_227 = arith.muli %scan3A_221, %mul3A_226 : i32
          %add3A_228 = arith.constant 0 : i32
          %add3A_229 = arith.addi %mul3A_227, %add3A_228 : i32
          %mul3A_230 = arith.constant 50 : i32
          %mul3A_231 = arith.muli %scan3A_180, %mul3A_230 : i32
          %add3A_232 = arith.addi %mul3A_231, %add3A_229 : i32
          %get3A = arith.constant 0 : i32
          %get3A_233 = arith.index_cast %get3A : i32 to index
          %get3A_234 = arith.index_cast %add3A_232 : i32 to index
          %get3A_235 = arith.constant 0 : index
          %get3A_236 = tpu.vector_load %arg10[%get3A_233, %get3A_234, %get3A_235] {strides = array<i32>} : memref<2x504x32xi32, #tpu.memory_space<vmem>>, vector<1x1x16xi32>,
          %get3A_237 = vector.shape_cast %get3A_236 : vector<1x1x16xi32> to vector<16xi32>
          %shift_left3A = arith.constant 16 : i32
          %shift_left3A_238 = vector.broadcast %shift_left3A : i32 to vector<16xi32>
          %shift_left3A_239 = arith.shli %get3A_237, %shift_left3A_238 : vector<16xi32>
          %shift_right_arithmetic3A = arith.constant 16 : i32
          %shift_right_arithmetic3A_240 = vector.broadcast %shift_right_arithmetic3A : i32 to vector<16xi32>
          %shift_right_arithmetic3A_241 = arith.shrsi %shift_left3A_239, %shift_right_arithmetic3A_240 : vector<16xi32>
          %shift_right_arithmetic3A_242 = arith.constant 16 : i32
          %shift_right_arithmetic3A_243 = vector.broadcast %shift_right_arithmetic3A_242 : i32 to vector<16xi32>
          %shift_right_arithmetic3A_244 = arith.shrsi %get3A_237, %shift_right_arithmetic3A_243 : vector<16xi32>
          %add3A_245 = arith.addi %scan3A_222, %shift_right_arithmetic3A_241 : vector<16xi32>
          %add3A_246 = arith.addi %scan3A_223, %shift_right_arithmetic3A_244 : vector<16xi32>
          %mul3A_247 = arith.constant 50 : i32
          %mul3A_248 = arith.muli %scan3A_180, %mul3A_247 : i32
          %add3A_249 = arith.addi %mul3A_248, %add3A_229 : i32
          %get3A_250 = arith.constant 0 : i32
          %get3A_251 = arith.index_cast %get3A_250 : i32 to index
          %get3A_252 = arith.index_cast %add3A_249 : i32 to index
          %get3A_253 = arith.constant 16 : index
          %get3A_254 = tpu.vector_load %arg10[%get3A_251, %get3A_252, %get3A_253] {strides = array<i32>} : memref<2x504x32xi32, #tpu.memory_space<vmem>>, vector<1x1x16xi32>,
          %get3A_255 = vector.shape_cast %get3A_254 : vector<1x1x16xi32> to vector<16xi32>
          %shift_left3A_256 = arith.constant 16 : i32
          %shift_left3A_257 = vector.broadcast %shift_left3A_256 : i32 to vector<16xi32>
          %shift_left3A_258 = arith.shli %get3A_255, %shift_left3A_257 : vector<16xi32>
          %shift_right_arithmetic3A_259 = arith.constant 16 : i32
          %shift_right_arithmetic3A_260 = vector.broadcast %shift_right_arithmetic3A_259 : i32 to vector<16xi32>
          %shift_right_arithmetic3A_261 = arith.shrsi %shift_left3A_258, %shift_right_arithmetic3A_260 : vector<16xi32>
          %shift_right_arithmetic3A_262 = arith.constant 16 : i32
          %shift_right_arithmetic3A_263 = vector.broadcast %shift_right_arithmetic3A_262 : i32 to vector<16xi32>
          %shift_right_arithmetic3A_264 = arith.shrsi %get3A_255, %shift_right_arithmetic3A_263 : vector<16xi32>
          %add3A_265 = arith.addi %scan3A_224, %shift_right_arithmetic3A_261 : vector<16xi32>
          %add3A_266 = arith.addi %scan3A_225, %shift_right_arithmetic3A_264 : vector<16xi32>
          %mul3A_267 = arith.constant 5 : i32
          %mul3A_268 = arith.muli %scan3A_221, %mul3A_267 : i32
          %add3A_269 = arith.constant 1 : i32
          %add3A_270 = arith.addi %mul3A_268, %add3A_269 : i32
          %mul3A_271 = arith.constant 50 : i32
          %mul3A_272 = arith.muli %scan3A_180, %mul3A_271 : i32
          %add3A_273 = arith.addi %mul3A_272, %add3A_270 : i32
          %get3A_274 = arith.constant 0 : i32
          %get3A_275 = arith.index_cast %get3A_274 : i32 to index
          %get3A_276 = arith.index_cast %add3A_273 : i32 to index
          %get3A_277 = arith.constant 0 : index
          %get3A_278 = tpu.vector_load %arg10[%get3A_275, %get3A_276, %get3A_277] {strides = array<i32>} : memref<2x504x32xi32, #tpu.memory_space<vmem>>, vector<1x1x16xi32>,
          %get3A_279 = vector.shape_cast %get3A_278 : vector<1x1x16xi32> to vector<16xi32>
          %shift_left3A_280 = arith.constant 16 : i32
          %shift_left3A_281 = vector.broadcast %shift_left3A_280 : i32 to vector<16xi32>
          %shift_left3A_282 = arith.shli %get3A_279, %shift_left3A_281 : vector<16xi32>
          %shift_right_arithmetic3A_283 = arith.constant 16 : i32
          %shift_right_arithmetic3A_284 = vector.broadcast %shift_right_arithmetic3A_283 : i32 to vector<16xi32>
          %shift_right_arithmetic3A_285 = arith.shrsi %shift_left3A_282, %shift_right_arithmetic3A_284 : vector<16xi32>
          %shift_right_arithmetic3A_286 = arith.constant 16 : i32
          %shift_right_arithmetic3A_287 = vector.broadcast %shift_right_arithmetic3A_286 : i32 to vector<16xi32>
          %shift_right_arithmetic3A_288 = arith.shrsi %get3A_279, %shift_right_arithmetic3A_287 : vector<16xi32>
          %add3A_289 = arith.addi %add3A_245, %shift_right_arithmetic3A_285 : vector<16xi32>
          %add3A_290 = arith.addi %add3A_246, %shift_right_arithmetic3A_288 : vector<16xi32>
          %mul3A_291 = arith.constant 50 : i32
          %mul3A_292 = arith.muli %scan3A_180, %mul3A_291 : i32
          %add3A_293 = arith.addi %mul3A_292, %add3A_270 : i32
          %get3A_294 = arith.constant 0 : i32
          %get3A_295 = arith.index_cast %get3A_294 : i32 to index
          %get3A_296 = arith.index_cast %add3A_293 : i32 to index
          %get3A_297 = arith.constant 16 : index
          %get3A_298 = tpu.vector_load %arg10[%get3A_295, %get3A_296, %get3A_297] {strides = array<i32>} : memref<2x504x32xi32, #tpu.memory_space<vmem>>, vector<1x1x16xi32>,
          %get3A_299 = vector.shape_cast %get3A_298 : vector<1x1x16xi32> to vector<16xi32>
          %shift_left3A_300 = arith.constant 16 : i32
          %shift_left3A_301 = vector.broadcast %shift_left3A_300 : i32 to vector<16xi32>
          %shift_left3A_302 = arith.shli %get3A_299, %shift_left3A_301 : vector<16xi32>
          %shift_right_arithmetic3A_303 = arith.constant 16 : i32
          %shift_right_arithmetic3A_304 = vector.broadcast %shift_right_arithmetic3A_303 : i32 to vector<16xi32>
          %shift_right_arithmetic3A_305 = arith.shrsi %shift_left3A_302, %shift_right_arithmetic3A_304 : vector<16xi32>
          %shift_right_arithmetic3A_306 = arith.constant 16 : i32
          %shift_right_arithmetic3A_307 = vector.broadcast %shift_right_arithmetic3A_306 : i32 to vector<16xi32>
          %shift_right_arithmetic3A_308 = arith.shrsi %get3A_299, %shift_right_arithmetic3A_307 : vector<16xi32>
          %add3A_309 = arith.addi %add3A_265, %shift_right_arithmetic3A_305 : vector<16xi32>
          %add3A_310 = arith.addi %add3A_266, %shift_right_arithmetic3A_308 : vector<16xi32>
          %mul3A_311 = arith.constant 5 : i32
          %mul3A_312 = arith.muli %scan3A_221, %mul3A_311 : i32
          %add3A_313 = arith.constant 2 : i32
          %add3A_314 = arith.addi %mul3A_312, %add3A_313 : i32
          %mul3A_315 = arith.constant 50 : i32
          %mul3A_316 = arith.muli %scan3A_180, %mul3A_315 : i32
          %add3A_317 = arith.addi %mul3A_316, %add3A_314 : i32
          %get3A_318 = arith.constant 0 : i32
          %get3A_319 = arith.index_cast %get3A_318 : i32 to index
          %get3A_320 = arith.index_cast %add3A_317 : i32 to index
          %get3A_321 = arith.constant 0 : index
          %get3A_322 = tpu.vector_load %arg10[%get3A_319, %get3A_320, %get3A_321] {strides = array<i32>} : memref<2x504x32xi32, #tpu.memory_space<vmem>>, vector<1x1x16xi32>,
          %get3A_323 = vector.shape_cast %get3A_322 : vector<1x1x16xi32> to vector<16xi32>
          %shift_left3A_324 = arith.constant 16 : i32
          %shift_left3A_325 = vector.broadcast %shift_left3A_324 : i32 to vector<16xi32>
          %shift_left3A_326 = arith.shli %get3A_323, %shift_left3A_325 : vector<16xi32>
          %shift_right_arithmetic3A_327 = arith.constant 16 : i32
          %shift_right_arithmetic3A_328 = vector.broadcast %shift_right_arithmetic3A_327 : i32 to vector<16xi32>
          %shift_right_arithmetic3A_329 = arith.shrsi %shift_left3A_326, %shift_right_arithmetic3A_328 : vector<16xi32>
          %shift_right_arithmetic3A_330 = arith.constant 16 : i32
          %shift_right_arithmetic3A_331 = vector.broadcast %shift_right_arithmetic3A_330 : i32 to vector<16xi32>
          %shift_right_arithmetic3A_332 = arith.shrsi %get3A_323, %shift_right_arithmetic3A_331 : vector<16xi32>
          %add3A_333 = arith.addi %add3A_289, %shift_right_arithmetic3A_329 : vector<16xi32>
          %add3A_334 = arith.addi %add3A_290, %shift_right_arithmetic3A_332 : vector<16xi32>
          %mul3A_335 = arith.constant 50 : i32
          %mul3A_336 = arith.muli %scan3A_180, %mul3A_335 : i32
          %add3A_337 = arith.addi %mul3A_336, %add3A_314 : i32
          %get3A_338 = arith.constant 0 : i32
          %get3A_339 = arith.index_cast %get3A_338 : i32 to index
          %get3A_340 = arith.index_cast %add3A_337 : i32 to index
          %get3A_341 = arith.constant 16 : index
          %get3A_342 = tpu.vector_load %arg10[%get3A_339, %get3A_340, %get3A_341] {strides = array<i32>} : memref<2x504x32xi32, #tpu.memory_space<vmem>>, vector<1x1x16xi32>,
          %get3A_343 = vector.shape_cast %get3A_342 : vector<1x1x16xi32> to vector<16xi32>
          %shift_left3A_344 = arith.constant 16 : i32
          %shift_left3A_345 = vector.broadcast %shift_left3A_344 : i32 to vector<16xi32>
          %shift_left3A_346 = arith.shli %get3A_343, %shift_left3A_345 : vector<16xi32>
          %shift_right_arithmetic3A_347 = arith.constant 16 : i32
          %shift_right_arithmetic3A_348 = vector.broadcast %shift_right_arithmetic3A_347 : i32 to vector<16xi32>
          %shift_right_arithmetic3A_349 = arith.shrsi %shift_left3A_346, %shift_right_arithmetic3A_348 : vector<16xi32>
          %shift_right_arithmetic3A_350 = arith.constant 16 : i32
          %shift_right_arithmetic3A_351 = vector.broadcast %shift_right_arithmetic3A_350 : i32 to vector<16xi32>
          %shift_right_arithmetic3A_352 = arith.shrsi %get3A_343, %shift_right_arithmetic3A_351 : vector<16xi32>
          %add3A_353 = arith.addi %add3A_309, %shift_right_arithmetic3A_349 : vector<16xi32>
          %add3A_354 = arith.addi %add3A_310, %shift_right_arithmetic3A_352 : vector<16xi32>
          %mul3A_355 = arith.constant 5 : i32
          %mul3A_356 = arith.muli %scan3A_221, %mul3A_355 : i32
          %add3A_357 = arith.constant 3 : i32
          %add3A_358 = arith.addi %mul3A_356, %add3A_357 : i32
          %mul3A_359 = arith.constant 50 : i32
          %mul3A_360 = arith.muli %scan3A_180, %mul3A_359 : i32
          %add3A_361 = arith.addi %mul3A_360, %add3A_358 : i32
          %get3A_362 = arith.constant 0 : i32
          %get3A_363 = arith.index_cast %get3A_362 : i32 to index
          %get3A_364 = arith.index_cast %add3A_361 : i32 to index
          %get3A_365 = arith.constant 0 : index
          %get3A_366 = tpu.vector_load %arg10[%get3A_363, %get3A_364, %get3A_365] {strides = array<i32>} : memref<2x504x32xi32, #tpu.memory_space<vmem>>, vector<1x1x16xi32>,
          %get3A_367 = vector.shape_cast %get3A_366 : vector<1x1x16xi32> to vector<16xi32>
          %shift_left3A_368 = arith.constant 16 : i32
          %shift_left3A_369 = vector.broadcast %shift_left3A_368 : i32 to vector<16xi32>
          %shift_left3A_370 = arith.shli %get3A_367, %shift_left3A_369 : vector<16xi32>
          %shift_right_arithmetic3A_371 = arith.constant 16 : i32
          %shift_right_arithmetic3A_372 = vector.broadcast %shift_right_arithmetic3A_371 : i32 to vector<16xi32>
          %shift_right_arithmetic3A_373 = arith.shrsi %shift_left3A_370, %shift_right_arithmetic3A_372 : vector<16xi32>
          %shift_right_arithmetic3A_374 = arith.constant 16 : i32
          %shift_right_arithmetic3A_375 = vector.broadcast %shift_right_arithmetic3A_374 : i32 to vector<16xi32>
          %shift_right_arithmetic3A_376 = arith.shrsi %get3A_367, %shift_right_arithmetic3A_375 : vector<16xi32>
          %add3A_377 = arith.addi %add3A_333, %shift_right_arithmetic3A_373 : vector<16xi32>
          %add3A_378 = arith.addi %add3A_334, %shift_right_arithmetic3A_376 : vector<16xi32>
          %mul3A_379 = arith.constant 50 : i32
          %mul3A_380 = arith.muli %scan3A_180, %mul3A_379 : i32
          %add3A_381 = arith.addi %mul3A_380, %add3A_358 : i32
          %get3A_382 = arith.constant 0 : i32
          %get3A_383 = arith.index_cast %get3A_382 : i32 to index
          %get3A_384 = arith.index_cast %add3A_381 : i32 to index
          %get3A_385 = arith.constant 16 : index
          %get3A_386 = tpu.vector_load %arg10[%get3A_383, %get3A_384, %get3A_385] {strides = array<i32>} : memref<2x504x32xi32, #tpu.memory_space<vmem>>, vector<1x1x16xi32>,
          %get3A_387 = vector.shape_cast %get3A_386 : vector<1x1x16xi32> to vector<16xi32>
          %shift_left3A_388 = arith.constant 16 : i32
          %shift_left3A_389 = vector.broadcast %shift_left3A_388 : i32 to vector<16xi32>
          %shift_left3A_390 = arith.shli %get3A_387, %shift_left3A_389 : vector<16xi32>
          %shift_right_arithmetic3A_391 = arith.constant 16 : i32
          %shift_right_arithmetic3A_392 = vector.broadcast %shift_right_arithmetic3A_391 : i32 to vector<16xi32>
          %shift_right_arithmetic3A_393 = arith.shrsi %shift_left3A_390, %shift_right_arithmetic3A_392 : vector<16xi32>
          %shift_right_arithmetic3A_394 = arith.constant 16 : i32
          %shift_right_arithmetic3A_395 = vector.broadcast %shift_right_arithmetic3A_394 : i32 to vector<16xi32>
          %shift_right_arithmetic3A_396 = arith.shrsi %get3A_387, %shift_right_arithmetic3A_395 : vector<16xi32>
          %add3A_397 = arith.addi %add3A_353, %shift_right_arithmetic3A_393 : vector<16xi32>
          %add3A_398 = arith.addi %add3A_354, %shift_right_arithmetic3A_396 : vector<16xi32>
          %mul3A_399 = arith.constant 5 : i32
          %mul3A_400 = arith.muli %scan3A_221, %mul3A_399 : i32
          %add3A_401 = arith.constant 4 : i32
          %add3A_402 = arith.addi %mul3A_400, %add3A_401 : i32
          %mul3A_403 = arith.constant 50 : i32
          %mul3A_404 = arith.muli %scan3A_180, %mul3A_403 : i32
          %add3A_405 = arith.addi %mul3A_404, %add3A_402 : i32
          %get3A_406 = arith.constant 0 : i32
          %get3A_407 = arith.index_cast %get3A_406 : i32 to index
          %get3A_408 = arith.index_cast %add3A_405 : i32 to index
          %get3A_409 = arith.constant 0 : index
          %get3A_410 = tpu.vector_load %arg10[%get3A_407, %get3A_408, %get3A_409] {strides = array<i32>} : memref<2x504x32xi32, #tpu.memory_space<vmem>>, vector<1x1x16xi32>,
          %get3A_411 = vector.shape_cast %get3A_410 : vector<1x1x16xi32> to vector<16xi32>
          %shift_left3A_412 = arith.constant 16 : i32
          %shift_left3A_413 = vector.broadcast %shift_left3A_412 : i32 to vector<16xi32>
          %shift_left3A_414 = arith.shli %get3A_411, %shift_left3A_413 : vector<16xi32>
          %shift_right_arithmetic3A_415 = arith.constant 16 : i32
          %shift_right_arithmetic3A_416 = vector.broadcast %shift_right_arithmetic3A_415 : i32 to vector<16xi32>
          %shift_right_arithmetic3A_417 = arith.shrsi %shift_left3A_414, %shift_right_arithmetic3A_416 : vector<16xi32>
          %shift_right_arithmetic3A_418 = arith.constant 16 : i32
          %shift_right_arithmetic3A_419 = vector.broadcast %shift_right_arithmetic3A_418 : i32 to vector<16xi32>
          %shift_right_arithmetic3A_420 = arith.shrsi %get3A_411, %shift_right_arithmetic3A_419 : vector<16xi32>
          %add3A_421 = arith.addi %add3A_377, %shift_right_arithmetic3A_417 : vector<16xi32>
          %add3A_422 = arith.addi %add3A_378, %shift_right_arithmetic3A_420 : vector<16xi32>
          %mul3A_423 = arith.constant 50 : i32
          %mul3A_424 = arith.muli %scan3A_180, %mul3A_423 : i32
          %add3A_425 = arith.addi %mul3A_424, %add3A_402 : i32
          %get3A_426 = arith.constant 0 : i32
          %get3A_427 = arith.index_cast %get3A_426 : i32 to index
          %get3A_428 = arith.index_cast %add3A_425 : i32 to index
          %get3A_429 = arith.constant 16 : index
          %get3A_430 = tpu.vector_load %arg10[%get3A_427, %get3A_428, %get3A_429] {strides = array<i32>} : memref<2x504x32xi32, #tpu.memory_space<vmem>>, vector<1x1x16xi32>,
          %get3A_431 = vector.shape_cast %get3A_430 : vector<1x1x16xi32> to vector<16xi32>
          %shift_left3A_432 = arith.constant 16 : i32
          %shift_left3A_433 = vector.broadcast %shift_left3A_432 : i32 to vector<16xi32>
          %shift_left3A_434 = arith.shli %get3A_431, %shift_left3A_433 : vector<16xi32>
          %shift_right_arithmetic3A_435 = arith.constant 16 : i32
          %shift_right_arithmetic3A_436 = vector.broadcast %shift_right_arithmetic3A_435 : i32 to vector<16xi32>
          %shift_right_arithmetic3A_437 = arith.shrsi %shift_left3A_434, %shift_right_arithmetic3A_436 : vector<16xi32>
          %shift_right_arithmetic3A_438 = arith.constant 16 : i32
          %shift_right_arithmetic3A_439 = vector.broadcast %shift_right_arithmetic3A_438 : i32 to vector<16xi32>
          %shift_right_arithmetic3A_440 = arith.shrsi %get3A_431, %shift_right_arithmetic3A_439 : vector<16xi32>
          %add3A_441 = arith.addi %add3A_397, %shift_right_arithmetic3A_437 : vector<16xi32>
          %add3A_442 = arith.addi %add3A_398, %shift_right_arithmetic3A_440 : vector<16xi32>
          scf.yield %add3A_421, %add3A_422, %add3A_441, %add3A_442 : vector<16xi32>, vector<16xi32>, vector<16xi32>, vector<16xi32>
        }
        %scan3A_187 = arith.constant 10 : i32
        %add3A_188 = arith.constant 0 : i32
        %add3A_189 = arith.addi %add3A_188, %scan3A_180 : i32
        %swap3A_190 = arith.index_cast %rem3A_67 : i32 to index
        %swap3A_191 = arith.index_cast %add3A_189 : i32 to index
        %swap3A_192 = arith.constant 0 : index
        %swap3A_193 = tpu.vector_load %arg12[%swap3A_190, %swap3A_191, %swap3A_192] {strides = array<i32>} : memref<8x20x64xi32, #tpu.memory_space<vmem>>, vector<1x1x16xi32>,
        %swap3A_194 = vector.shape_cast %swap3A_193 : vector<1x1x16xi32> to vector<16xi32>
        %swap3A_195 = vector.shape_cast %scan3A_186#0 : vector<16xi32> to vector<1x1x16xi32>
        tpu.vector_store %arg12[%swap3A_190, %swap3A_191, %swap3A_192], %swap3A_195 {strides = array<i32>} : memref<8x20x64xi32, #tpu.memory_space<vmem>>, vector<1x1x16xi32>,
        %add3A_196 = arith.constant 0 : i32
        %add3A_197 = arith.addi %add3A_196, %scan3A_180 : i32
        %swap3A_198 = arith.index_cast %rem3A_67 : i32 to index
        %swap3A_199 = arith.index_cast %add3A_197 : i32 to index
        %swap3A_200 = arith.constant 16 : index
        %swap3A_201 = tpu.vector_load %arg12[%swap3A_198, %swap3A_199, %swap3A_200] {strides = array<i32>} : memref<8x20x64xi32, #tpu.memory_space<vmem>>, vector<1x1x16xi32>,
        %swap3A_202 = vector.shape_cast %swap3A_201 : vector<1x1x16xi32> to vector<16xi32>
        %swap3A_203 = vector.shape_cast %scan3A_186#1 : vector<16xi32> to vector<1x1x16xi32>
        tpu.vector_store %arg12[%swap3A_198, %swap3A_199, %swap3A_200], %swap3A_203 {strides = array<i32>} : memref<8x20x64xi32, #tpu.memory_space<vmem>>, vector<1x1x16xi32>,
        %add3A_204 = arith.constant 0 : i32
        %add3A_205 = arith.addi %add3A_204, %scan3A_180 : i32
        %swap3A_206 = arith.index_cast %rem3A_67 : i32 to index
        %swap3A_207 = arith.index_cast %add3A_205 : i32 to index
        %swap3A_208 = arith.constant 32 : index
        %swap3A_209 = tpu.vector_load %arg12[%swap3A_206, %swap3A_207, %swap3A_208] {strides = array<i32>} : memref<8x20x64xi32, #tpu.memory_space<vmem>>, vector<1x1x16xi32>,
        %swap3A_210 = vector.shape_cast %swap3A_209 : vector<1x1x16xi32> to vector<16xi32>
        %swap3A_211 = vector.shape_cast %scan3A_186#2 : vector<16xi32> to vector<1x1x16xi32>
        tpu.vector_store %arg12[%swap3A_206, %swap3A_207, %swap3A_208], %swap3A_211 {strides = array<i32>} : memref<8x20x64xi32, #tpu.memory_space<vmem>>, vector<1x1x16xi32>,
        %add3A_212 = arith.constant 0 : i32
        %add3A_213 = arith.addi %add3A_212, %scan3A_180 : i32
        %swap3A_214 = arith.index_cast %rem3A_67 : i32 to index
        %swap3A_215 = arith.index_cast %add3A_213 : i32 to index
        %swap3A_216 = arith.constant 48 : index
        %swap3A_217 = tpu.vector_load %arg12[%swap3A_214, %swap3A_215, %swap3A_216] {strides = array<i32>} : memref<8x20x64xi32, #tpu.memory_space<vmem>>, vector<1x1x16xi32>,
        %swap3A_218 = vector.shape_cast %swap3A_217 : vector<1x1x16xi32> to vector<16xi32>
        %swap3A_219 = vector.shape_cast %scan3A_186#3 : vector<16xi32> to vector<1x1x16xi32>
        tpu.vector_store %arg12[%swap3A_214, %swap3A_215, %swap3A_216], %swap3A_219 {strides = array<i32>} : memref<8x20x64xi32, #tpu.memory_space<vmem>>, vector<1x1x16xi32>,
        %scan3A_220 = arith.constant 0 : i32
        scf.yield %scan3A_220 : i32
      }
      %scan3A_105 = arith.constant 10 : i32
      %eq3A = arith.constant 7 : i32
      %eq3A_106 = arith.cmpi eq, %rem3A_67, %eq3A : i32
      %lt3A = arith.constant 15 : i32
      %lt3A_107 = arith.cmpi slt, %div3A_66, %lt3A : i32
      %and3A = arith.andi %eq3A_106, %lt3A_107 : i1
      %convert_element_type3A = arith.extui %and3A : i1 to i32
      %cond3A = arith.constant 0 : i32
      %cond3A_108 = arith.cmpi ne, %convert_element_type3A, %cond3A : i32
      scf.if %cond3A_108 {
        %sub3A = arith.constant 1 : i32
        %sub3A_180 = arith.subi %sub3A, %rem3A_69 : i32
        %dma_wait3A_181 = arith.constant 0 : i32
        %dma_wait3A_182 = arith.constant 0 : i32
        %dma_wait3A_183 = arith.constant 0 : i32
        %dma_wait3A_184 = tpu.memref_slice %arg8[%sub3A_180, %dma_wait3A_181, %dma_wait3A_182, %dma_wait3A_183] : memref<2x8x2x520xi32, #tpu.memory_space<vmem>> -> memref<1x8x2x520xi32, #tpu.memory_space<vmem>>
        %dma_wait3A_185 = tpu.memref_squeeze %dma_wait3A_184 : memref<1x8x2x520xi32, #tpu.memory_space<vmem>> -> memref<8x2x520xi32, #tpu.memory_space<vmem>>
        %dma_wait3A_186 = arith.constant 0 : i32
        %dma_wait3A_187 = arith.constant 0 : i32
        %dma_wait3A_188 = tpu.memref_slice %arg2[%mul3A_2, %dma_wait3A_186, %dma_wait3A_187] : memref<4096x2x520xi32, #tpu.memory_space<hbm>> -> memref<8x2x520xi32, #tpu.memory_space<hbm>>
        %dma_wait3A_189 = arith.constant 0 : i32
        %dma_wait3A_190 = arith.constant 0 : i32
        %dma_wait3A_191 = arith.constant 0 : i32
        %dma_wait3A_192 = tpu.memref_slice %arg8[%sub3A_180, %dma_wait3A_189, %dma_wait3A_190, %dma_wait3A_191] : memref<2x8x2x520xi32, #tpu.memory_space<vmem>> -> memref<1x8x2x520xi32, #tpu.memory_space<vmem>>
        %dma_wait3A_193 = tpu.memref_squeeze %dma_wait3A_192 : memref<1x8x2x520xi32, #tpu.memory_space<vmem>> -> memref<8x2x520xi32, #tpu.memory_space<vmem>>
        %dma_wait3A_194 = arith.constant 0 : i32
        %dma_wait3A_195 = arith.constant 0 : i32
        %dma_wait3A_196 = tpu.memref_slice %arg2[%mul3A_2, %dma_wait3A_194, %dma_wait3A_195] : memref<4096x2x520xi32, #tpu.memory_space<hbm>> -> memref<8x2x520xi32, #tpu.memory_space<hbm>>
        tpu.wait_dma2 semaphore(%arg17 : memref<!tpu.dma_semaphore, #tpu.memory_space<semaphore_mem>>) src(%dma_wait3A_196 : memref<8x2x520xi32, #tpu.memory_space<hbm>>) dst(%dma_wait3A_193 : memref<8x2x520xi32, #tpu.memory_space<vmem>>)
        %sub3A_197 = arith.constant 1 : i32
        %sub3A_198 = arith.subi %sub3A_197, %rem3A_69 : i32
        %dma_wait3A_199 = arith.constant 0 : i32
        %dma_wait3A_200 = arith.constant 0 : i32
        %dma_wait3A_201 = tpu.memref_slice %arg9[%sub3A_198, %dma_wait3A_199, %dma_wait3A_200] : memref<2x8x24xi32, #tpu.memory_space<vmem>> -> memref<1x8x24xi32, #tpu.memory_space<vmem>>
        %dma_wait3A_202 = tpu.memref_squeeze %dma_wait3A_201 : memref<1x8x24xi32, #tpu.memory_space<vmem>> -> memref<8x24xi32, #tpu.memory_space<vmem>>
        %dma_wait3A_203 = arith.constant 0 : i32
        %dma_wait3A_204 = tpu.memref_slice %arg3[%mul3A_2, %dma_wait3A_203] : memref<4096x24xi32, #tpu.memory_space<hbm>> -> memref<8x24xi32, #tpu.memory_space<hbm>>
        %dma_wait3A_205 = arith.constant 0 : i32
        %dma_wait3A_206 = arith.constant 0 : i32
        %dma_wait3A_207 = tpu.memref_slice %arg9[%sub3A_198, %dma_wait3A_205, %dma_wait3A_206] : memref<2x8x24xi32, #tpu.memory_space<vmem>> -> memref<1x8x24xi32, #tpu.memory_space<vmem>>
        %dma_wait3A_208 = tpu.memref_squeeze %dma_wait3A_207 : memref<1x8x24xi32, #tpu.memory_space<vmem>> -> memref<8x24xi32, #tpu.memory_space<vmem>>
        %dma_wait3A_209 = arith.constant 0 : i32
        %dma_wait3A_210 = tpu.memref_slice %arg3[%mul3A_2, %dma_wait3A_209] : memref<4096x24xi32, #tpu.memory_space<hbm>> -> memref<8x24xi32, #tpu.memory_space<hbm>>
        tpu.wait_dma2 semaphore(%arg18 : memref<!tpu.dma_semaphore, #tpu.memory_space<semaphore_mem>>) src(%dma_wait3A_210 : memref<8x24xi32, #tpu.memory_space<hbm>>) dst(%dma_wait3A_208 : memref<8x24xi32, #tpu.memory_space<vmem>>)
      } else {
      }
      %lt3A_109 = arith.constant 127 : i32
      %lt3A_110 = arith.cmpi slt, %scan3A_64, %lt3A_109 : i32
      %convert_element_type3A_111 = arith.extui %lt3A_110 : i1 to i32
      %cond3A_112 = arith.constant 0 : i32
      %cond3A_113 = arith.cmpi ne, %convert_element_type3A_111, %cond3A_112 : i32
      scf.if %cond3A_113 {
        %add3A_180 = arith.constant 1 : i32
        %add3A_181 = arith.addi %scan3A_64, %add3A_180 : i32
        %div3A_182 = arith.constant 8 : i32
        %div3A_183 = arith.divsi %add3A_181, %div3A_182 : i32
        %rem3A_184 = arith.constant 2 : i32
        %rem3A_185 = arith.remsi %div3A_183, %rem3A_184 : i32
        %rem3A_186 = arith.constant 8 : i32
        %rem3A_187 = arith.remsi %add3A_181, %rem3A_186 : i32
        %dma_start3A_188 = arith.constant 0 : i32
        %dma_start3A_189 = arith.constant 0 : i32
        %dma_start3A_190 = arith.constant 0 : i32
        %dma_start3A_191 = arith.constant 0 : i32
        %dma_start3A_192 = tpu.memref_slice %arg10[%dma_start3A_189, %dma_start3A_190, %dma_start3A_191] : memref<2x504x32xi32, #tpu.memory_space<vmem>> -> memref<1x504x32xi32, #tpu.memory_space<vmem>>
        %dma_start3A_193 = tpu.memref_squeeze %dma_start3A_192 : memref<1x504x32xi32, #tpu.memory_space<vmem>> -> memref<504x32xi32, #tpu.memory_space<vmem>>
        %dma_start3A_194 = arith.constant 0 : i32
        %dma_start3A_195 = tpu.memref_slice %arg8[%rem3A_185, %rem3A_187, %dma_start3A_188, %dma_start3A_194] : memref<2x8x2x520xi32, #tpu.memory_space<vmem>> -> memref<1x1x1x504xi32, #tpu.memory_space<vmem>>
        %dma_start3A_196 = tpu.memref_squeeze %dma_start3A_195 : memref<1x1x1x504xi32, #tpu.memory_space<vmem>> -> memref<504xi32, #tpu.memory_space<vmem>>
        %dma_start3A_197 = arith.constant 0 : i32
        %dma_start3A_198 = arith.constant 0 : i32
        %dma_start3A_199 = tpu.memref_slice %arg4[%dma_start3A_197, %dma_start3A_198] : memref<100000x32xi32, #tpu.memory_space<hbm>> -> memref<100000x32xi32, #tpu.memory_space<hbm>>
        tpu.enqueue_indirect_dma source(%dma_start3A_199 : memref<100000x32xi32, #tpu.memory_space<hbm>>) target(%dma_start3A_193 : memref<504x32xi32, #tpu.memory_space<vmem>>) offsets(%dma_start3A_196 : memref<504xi32, #tpu.memory_space<vmem>>) semaphore(%arg14 : memref<!tpu.dma_semaphore, #tpu.memory_space<semaphore_mem>>)
      } else {
      }
      %dma_wait3A_114 = arith.constant 1 : i32
      %dma_wait3A_115 = arith.constant 1 : i32
      %dma_wait3A_116 = arith.constant 0 : i32
      %dma_wait3A_117 = arith.constant 0 : i32
      %dma_wait3A_118 = tpu.memref_slice %arg10[%dma_wait3A_115, %dma_wait3A_116, %dma_wait3A_117] : memref<2x504x32xi32, #tpu.memory_space<vmem>> -> memref<1x504x32xi32, #tpu.memory_space<vmem>>
      %dma_wait3A_119 = tpu.memref_squeeze %dma_wait3A_118 : memref<1x504x32xi32, #tpu.memory_space<vmem>> -> memref<504x32xi32, #tpu.memory_space<vmem>>
      %dma_wait3A_120 = arith.constant 0 : i32
      %dma_wait3A_121 = tpu.memref_slice %arg8[%rem3A_69, %rem3A_67, %dma_wait3A_114, %dma_wait3A_120] : memref<2x8x2x520xi32, #tpu.memory_space<vmem>> -> memref<1x1x1x504xi32, #tpu.memory_space<vmem>>
      %dma_wait3A_122 = tpu.memref_squeeze %dma_wait3A_121 : memref<1x1x1x504xi32, #tpu.memory_space<vmem>> -> memref<504xi32, #tpu.memory_space<vmem>>
      %dma_wait3A_123 = arith.constant 0 : i32
      %dma_wait3A_124 = arith.constant 0 : i32
      %dma_wait3A_125 = tpu.memref_slice %arg4[%dma_wait3A_123, %dma_wait3A_124] : memref<100000x32xi32, #tpu.memory_space<hbm>> -> memref<100000x32xi32, #tpu.memory_space<hbm>>
      tpu.wait_indirect_dma semaphore(%arg15 : memref<!tpu.dma_semaphore, #tpu.memory_space<semaphore_mem>>) src(%dma_wait3A_125 : memref<100000x32xi32, #tpu.memory_space<hbm>>) dst(%dma_wait3A_119 : memref<504x32xi32, #tpu.memory_space<vmem>>)
      %scan3A_126 = arith.constant 0 : i32
      %scan3A_127 = arith.constant 0 : i32
      %scan3A_128 = arith.constant 10 : i32
      %scan3A_129 = arith.addi %scan3A_127, %scan3A_128 : i32
      %scan3A_130 = arith.constant 1 : i32
      %scan3A_131 = scf.for %scan3A_180 = %scan3A_127 to %scan3A_129 step %scan3A_130 iter_args(%scan3A_181 = %scan3A_126) -> (i32)  : i32 {
        %scan3A_182 = arith.constant 0 : i32
        %scan3A_183 = arith.constant 10 : i32
        %scan3A_184 = arith.addi %scan3A_182, %scan3A_183 : i32
        %scan3A_185 = arith.constant 1 : i32
        %scan3A_186:4 = scf.for %scan3A_221 = %scan3A_182 to %scan3A_184 step %scan3A_185 iter_args(%scan3A_222 = %broadcast_in_dim3A_3, %scan3A_223 = %broadcast_in_dim3A_5, %scan3A_224 = %broadcast_in_dim3A_7, %scan3A_225 = %broadcast_in_dim3A_9) -> (vector<16xi32>, vector<16xi32>, vector<16xi32>, vector<16xi32>)  : i32 {
          %mul3A_226 = arith.constant 5 : i32
          %mul3A_227 = arith.muli %scan3A_221, %mul3A_226 : i32
          %add3A_228 = arith.constant 0 : i32
          %add3A_229 = arith.addi %mul3A_227, %add3A_228 : i32
          %mul3A_230 = arith.constant 50 : i32
          %mul3A_231 = arith.muli %scan3A_180, %mul3A_230 : i32
          %add3A_232 = arith.addi %mul3A_231, %add3A_229 : i32
          %get3A = arith.constant 1 : i32
          %get3A_233 = arith.index_cast %get3A : i32 to index
          %get3A_234 = arith.index_cast %add3A_232 : i32 to index
          %get3A_235 = arith.constant 0 : index
          %get3A_236 = tpu.vector_load %arg10[%get3A_233, %get3A_234, %get3A_235] {strides = array<i32>} : memref<2x504x32xi32, #tpu.memory_space<vmem>>, vector<1x1x16xi32>,
          %get3A_237 = vector.shape_cast %get3A_236 : vector<1x1x16xi32> to vector<16xi32>
          %shift_left3A = arith.constant 16 : i32
          %shift_left3A_238 = vector.broadcast %shift_left3A : i32 to vector<16xi32>
          %shift_left3A_239 = arith.shli %get3A_237, %shift_left3A_238 : vector<16xi32>
          %shift_right_arithmetic3A = arith.constant 16 : i32
          %shift_right_arithmetic3A_240 = vector.broadcast %shift_right_arithmetic3A : i32 to vector<16xi32>
          %shift_right_arithmetic3A_241 = arith.shrsi %shift_left3A_239, %shift_right_arithmetic3A_240 : vector<16xi32>
          %shift_right_arithmetic3A_242 = arith.constant 16 : i32
          %shift_right_arithmetic3A_243 = vector.broadcast %shift_right_arithmetic3A_242 : i32 to vector<16xi32>
          %shift_right_arithmetic3A_244 = arith.shrsi %get3A_237, %shift_right_arithmetic3A_243 : vector<16xi32>
          %add3A_245 = arith.addi %scan3A_222, %shift_right_arithmetic3A_241 : vector<16xi32>
          %add3A_246 = arith.addi %scan3A_223, %shift_right_arithmetic3A_244 : vector<16xi32>
          %mul3A_247 = arith.constant 50 : i32
          %mul3A_248 = arith.muli %scan3A_180, %mul3A_247 : i32
          %add3A_249 = arith.addi %mul3A_248, %add3A_229 : i32
          %get3A_250 = arith.constant 1 : i32
          %get3A_251 = arith.index_cast %get3A_250 : i32 to index
          %get3A_252 = arith.index_cast %add3A_249 : i32 to index
          %get3A_253 = arith.constant 16 : index
          %get3A_254 = tpu.vector_load %arg10[%get3A_251, %get3A_252, %get3A_253] {strides = array<i32>} : memref<2x504x32xi32, #tpu.memory_space<vmem>>, vector<1x1x16xi32>,
          %get3A_255 = vector.shape_cast %get3A_254 : vector<1x1x16xi32> to vector<16xi32>
          %shift_left3A_256 = arith.constant 16 : i32
          %shift_left3A_257 = vector.broadcast %shift_left3A_256 : i32 to vector<16xi32>
          %shift_left3A_258 = arith.shli %get3A_255, %shift_left3A_257 : vector<16xi32>
          %shift_right_arithmetic3A_259 = arith.constant 16 : i32
          %shift_right_arithmetic3A_260 = vector.broadcast %shift_right_arithmetic3A_259 : i32 to vector<16xi32>
          %shift_right_arithmetic3A_261 = arith.shrsi %shift_left3A_258, %shift_right_arithmetic3A_260 : vector<16xi32>
          %shift_right_arithmetic3A_262 = arith.constant 16 : i32
          %shift_right_arithmetic3A_263 = vector.broadcast %shift_right_arithmetic3A_262 : i32 to vector<16xi32>
          %shift_right_arithmetic3A_264 = arith.shrsi %get3A_255, %shift_right_arithmetic3A_263 : vector<16xi32>
          %add3A_265 = arith.addi %scan3A_224, %shift_right_arithmetic3A_261 : vector<16xi32>
          %add3A_266 = arith.addi %scan3A_225, %shift_right_arithmetic3A_264 : vector<16xi32>
          %mul3A_267 = arith.constant 5 : i32
          %mul3A_268 = arith.muli %scan3A_221, %mul3A_267 : i32
          %add3A_269 = arith.constant 1 : i32
          %add3A_270 = arith.addi %mul3A_268, %add3A_269 : i32
          %mul3A_271 = arith.constant 50 : i32
          %mul3A_272 = arith.muli %scan3A_180, %mul3A_271 : i32
          %add3A_273 = arith.addi %mul3A_272, %add3A_270 : i32
          %get3A_274 = arith.constant 1 : i32
          %get3A_275 = arith.index_cast %get3A_274 : i32 to index
          %get3A_276 = arith.index_cast %add3A_273 : i32 to index
          %get3A_277 = arith.constant 0 : index
          %get3A_278 = tpu.vector_load %arg10[%get3A_275, %get3A_276, %get3A_277] {strides = array<i32>} : memref<2x504x32xi32, #tpu.memory_space<vmem>>, vector<1x1x16xi32>,
          %get3A_279 = vector.shape_cast %get3A_278 : vector<1x1x16xi32> to vector<16xi32>
          %shift_left3A_280 = arith.constant 16 : i32
          %shift_left3A_281 = vector.broadcast %shift_left3A_280 : i32 to vector<16xi32>
          %shift_left3A_282 = arith.shli %get3A_279, %shift_left3A_281 : vector<16xi32>
          %shift_right_arithmetic3A_283 = arith.constant 16 : i32
          %shift_right_arithmetic3A_284 = vector.broadcast %shift_right_arithmetic3A_283 : i32 to vector<16xi32>
          %shift_right_arithmetic3A_285 = arith.shrsi %shift_left3A_282, %shift_right_arithmetic3A_284 : vector<16xi32>
          %shift_right_arithmetic3A_286 = arith.constant 16 : i32
          %shift_right_arithmetic3A_287 = vector.broadcast %shift_right_arithmetic3A_286 : i32 to vector<16xi32>
          %shift_right_arithmetic3A_288 = arith.shrsi %get3A_279, %shift_right_arithmetic3A_287 : vector<16xi32>
          %add3A_289 = arith.addi %add3A_245, %shift_right_arithmetic3A_285 : vector<16xi32>
          %add3A_290 = arith.addi %add3A_246, %shift_right_arithmetic3A_288 : vector<16xi32>
          %mul3A_291 = arith.constant 50 : i32
          %mul3A_292 = arith.muli %scan3A_180, %mul3A_291 : i32
          %add3A_293 = arith.addi %mul3A_292, %add3A_270 : i32
          %get3A_294 = arith.constant 1 : i32
          %get3A_295 = arith.index_cast %get3A_294 : i32 to index
          %get3A_296 = arith.index_cast %add3A_293 : i32 to index
          %get3A_297 = arith.constant 16 : index
          %get3A_298 = tpu.vector_load %arg10[%get3A_295, %get3A_296, %get3A_297] {strides = array<i32>} : memref<2x504x32xi32, #tpu.memory_space<vmem>>, vector<1x1x16xi32>,
          %get3A_299 = vector.shape_cast %get3A_298 : vector<1x1x16xi32> to vector<16xi32>
          %shift_left3A_300 = arith.constant 16 : i32
          %shift_left3A_301 = vector.broadcast %shift_left3A_300 : i32 to vector<16xi32>
          %shift_left3A_302 = arith.shli %get3A_299, %shift_left3A_301 : vector<16xi32>
          %shift_right_arithmetic3A_303 = arith.constant 16 : i32
          %shift_right_arithmetic3A_304 = vector.broadcast %shift_right_arithmetic3A_303 : i32 to vector<16xi32>
          %shift_right_arithmetic3A_305 = arith.shrsi %shift_left3A_302, %shift_right_arithmetic3A_304 : vector<16xi32>
          %shift_right_arithmetic3A_306 = arith.constant 16 : i32
          %shift_right_arithmetic3A_307 = vector.broadcast %shift_right_arithmetic3A_306 : i32 to vector<16xi32>
          %shift_right_arithmetic3A_308 = arith.shrsi %get3A_299, %shift_right_arithmetic3A_307 : vector<16xi32>
          %add3A_309 = arith.addi %add3A_265, %shift_right_arithmetic3A_305 : vector<16xi32>
          %add3A_310 = arith.addi %add3A_266, %shift_right_arithmetic3A_308 : vector<16xi32>
          %mul3A_311 = arith.constant 5 : i32
          %mul3A_312 = arith.muli %scan3A_221, %mul3A_311 : i32
          %add3A_313 = arith.constant 2 : i32
          %add3A_314 = arith.addi %mul3A_312, %add3A_313 : i32
          %mul3A_315 = arith.constant 50 : i32
          %mul3A_316 = arith.muli %scan3A_180, %mul3A_315 : i32
          %add3A_317 = arith.addi %mul3A_316, %add3A_314 : i32
          %get3A_318 = arith.constant 1 : i32
          %get3A_319 = arith.index_cast %get3A_318 : i32 to index
          %get3A_320 = arith.index_cast %add3A_317 : i32 to index
          %get3A_321 = arith.constant 0 : index
          %get3A_322 = tpu.vector_load %arg10[%get3A_319, %get3A_320, %get3A_321] {strides = array<i32>} : memref<2x504x32xi32, #tpu.memory_space<vmem>>, vector<1x1x16xi32>,
          %get3A_323 = vector.shape_cast %get3A_322 : vector<1x1x16xi32> to vector<16xi32>
          %shift_left3A_324 = arith.constant 16 : i32
          %shift_left3A_325 = vector.broadcast %shift_left3A_324 : i32 to vector<16xi32>
          %shift_left3A_326 = arith.shli %get3A_323, %shift_left3A_325 : vector<16xi32>
          %shift_right_arithmetic3A_327 = arith.constant 16 : i32
          %shift_right_arithmetic3A_328 = vector.broadcast %shift_right_arithmetic3A_327 : i32 to vector<16xi32>
          %shift_right_arithmetic3A_329 = arith.shrsi %shift_left3A_326, %shift_right_arithmetic3A_328 : vector<16xi32>
          %shift_right_arithmetic3A_330 = arith.constant 16 : i32
          %shift_right_arithmetic3A_331 = vector.broadcast %shift_right_arithmetic3A_330 : i32 to vector<16xi32>
          %shift_right_arithmetic3A_332 = arith.shrsi %get3A_323, %shift_right_arithmetic3A_331 : vector<16xi32>
          %add3A_333 = arith.addi %add3A_289, %shift_right_arithmetic3A_329 : vector<16xi32>
          %add3A_334 = arith.addi %add3A_290, %shift_right_arithmetic3A_332 : vector<16xi32>
          %mul3A_335 = arith.constant 50 : i32
          %mul3A_336 = arith.muli %scan3A_180, %mul3A_335 : i32
          %add3A_337 = arith.addi %mul3A_336, %add3A_314 : i32
          %get3A_338 = arith.constant 1 : i32
          %get3A_339 = arith.index_cast %get3A_338 : i32 to index
          %get3A_340 = arith.index_cast %add3A_337 : i32 to index
          %get3A_341 = arith.constant 16 : index
          %get3A_342 = tpu.vector_load %arg10[%get3A_339, %get3A_340, %get3A_341] {strides = array<i32>} : memref<2x504x32xi32, #tpu.memory_space<vmem>>, vector<1x1x16xi32>,
          %get3A_343 = vector.shape_cast %get3A_342 : vector<1x1x16xi32> to vector<16xi32>
          %shift_left3A_344 = arith.constant 16 : i32
          %shift_left3A_345 = vector.broadcast %shift_left3A_344 : i32 to vector<16xi32>
          %shift_left3A_346 = arith.shli %get3A_343, %shift_left3A_345 : vector<16xi32>
          %shift_right_arithmetic3A_347 = arith.constant 16 : i32
          %shift_right_arithmetic3A_348 = vector.broadcast %shift_right_arithmetic3A_347 : i32 to vector<16xi32>
          %shift_right_arithmetic3A_349 = arith.shrsi %shift_left3A_346, %shift_right_arithmetic3A_348 : vector<16xi32>
          %shift_right_arithmetic3A_350 = arith.constant 16 : i32
          %shift_right_arithmetic3A_351 = vector.broadcast %shift_right_arithmetic3A_350 : i32 to vector<16xi32>
          %shift_right_arithmetic3A_352 = arith.shrsi %get3A_343, %shift_right_arithmetic3A_351 : vector<16xi32>
          %add3A_353 = arith.addi %add3A_309, %shift_right_arithmetic3A_349 : vector<16xi32>
          %add3A_354 = arith.addi %add3A_310, %shift_right_arithmetic3A_352 : vector<16xi32>
          %mul3A_355 = arith.constant 5 : i32
          %mul3A_356 = arith.muli %scan3A_221, %mul3A_355 : i32
          %add3A_357 = arith.constant 3 : i32
          %add3A_358 = arith.addi %mul3A_356, %add3A_357 : i32
          %mul3A_359 = arith.constant 50 : i32
          %mul3A_360 = arith.muli %scan3A_180, %mul3A_359 : i32
          %add3A_361 = arith.addi %mul3A_360, %add3A_358 : i32
          %get3A_362 = arith.constant 1 : i32
          %get3A_363 = arith.index_cast %get3A_362 : i32 to index
          %get3A_364 = arith.index_cast %add3A_361 : i32 to index
          %get3A_365 = arith.constant 0 : index
          %get3A_366 = tpu.vector_load %arg10[%get3A_363, %get3A_364, %get3A_365] {strides = array<i32>} : memref<2x504x32xi32, #tpu.memory_space<vmem>>, vector<1x1x16xi32>,
          %get3A_367 = vector.shape_cast %get3A_366 : vector<1x1x16xi32> to vector<16xi32>
          %shift_left3A_368 = arith.constant 16 : i32
          %shift_left3A_369 = vector.broadcast %shift_left3A_368 : i32 to vector<16xi32>
          %shift_left3A_370 = arith.shli %get3A_367, %shift_left3A_369 : vector<16xi32>
          %shift_right_arithmetic3A_371 = arith.constant 16 : i32
          %shift_right_arithmetic3A_372 = vector.broadcast %shift_right_arithmetic3A_371 : i32 to vector<16xi32>
          %shift_right_arithmetic3A_373 = arith.shrsi %shift_left3A_370, %shift_right_arithmetic3A_372 : vector<16xi32>
          %shift_right_arithmetic3A_374 = arith.constant 16 : i32
          %shift_right_arithmetic3A_375 = vector.broadcast %shift_right_arithmetic3A_374 : i32 to vector<16xi32>
          %shift_right_arithmetic3A_376 = arith.shrsi %get3A_367, %shift_right_arithmetic3A_375 : vector<16xi32>
          %add3A_377 = arith.addi %add3A_333, %shift_right_arithmetic3A_373 : vector<16xi32>
          %add3A_378 = arith.addi %add3A_334, %shift_right_arithmetic3A_376 : vector<16xi32>
          %mul3A_379 = arith.constant 50 : i32
          %mul3A_380 = arith.muli %scan3A_180, %mul3A_379 : i32
          %add3A_381 = arith.addi %mul3A_380, %add3A_358 : i32
          %get3A_382 = arith.constant 1 : i32
          %get3A_383 = arith.index_cast %get3A_382 : i32 to index
          %get3A_384 = arith.index_cast %add3A_381 : i32 to index
          %get3A_385 = arith.constant 16 : index
          %get3A_386 = tpu.vector_load %arg10[%get3A_383, %get3A_384, %get3A_385] {strides = array<i32>} : memref<2x504x32xi32, #tpu.memory_space<vmem>>, vector<1x1x16xi32>,
          %get3A_387 = vector.shape_cast %get3A_386 : vector<1x1x16xi32> to vector<16xi32>
          %shift_left3A_388 = arith.constant 16 : i32
          %shift_left3A_389 = vector.broadcast %shift_left3A_388 : i32 to vector<16xi32>
          %shift_left3A_390 = arith.shli %get3A_387, %shift_left3A_389 : vector<16xi32>
          %shift_right_arithmetic3A_391 = arith.constant 16 : i32
          %shift_right_arithmetic3A_392 = vector.broadcast %shift_right_arithmetic3A_391 : i32 to vector<16xi32>
          %shift_right_arithmetic3A_393 = arith.shrsi %shift_left3A_390, %shift_right_arithmetic3A_392 : vector<16xi32>
          %shift_right_arithmetic3A_394 = arith.constant 16 : i32
          %shift_right_arithmetic3A_395 = vector.broadcast %shift_right_arithmetic3A_394 : i32 to vector<16xi32>
          %shift_right_arithmetic3A_396 = arith.shrsi %get3A_387, %shift_right_arithmetic3A_395 : vector<16xi32>
          %add3A_397 = arith.addi %add3A_353, %shift_right_arithmetic3A_393 : vector<16xi32>
          %add3A_398 = arith.addi %add3A_354, %shift_right_arithmetic3A_396 : vector<16xi32>
          %mul3A_399 = arith.constant 5 : i32
          %mul3A_400 = arith.muli %scan3A_221, %mul3A_399 : i32
          %add3A_401 = arith.constant 4 : i32
          %add3A_402 = arith.addi %mul3A_400, %add3A_401 : i32
          %mul3A_403 = arith.constant 50 : i32
          %mul3A_404 = arith.muli %scan3A_180, %mul3A_403 : i32
          %add3A_405 = arith.addi %mul3A_404, %add3A_402 : i32
          %get3A_406 = arith.constant 1 : i32
          %get3A_407 = arith.index_cast %get3A_406 : i32 to index
          %get3A_408 = arith.index_cast %add3A_405 : i32 to index
          %get3A_409 = arith.constant 0 : index
          %get3A_410 = tpu.vector_load %arg10[%get3A_407, %get3A_408, %get3A_409] {strides = array<i32>} : memref<2x504x32xi32, #tpu.memory_space<vmem>>, vector<1x1x16xi32>,
          %get3A_411 = vector.shape_cast %get3A_410 : vector<1x1x16xi32> to vector<16xi32>
          %shift_left3A_412 = arith.constant 16 : i32
          %shift_left3A_413 = vector.broadcast %shift_left3A_412 : i32 to vector<16xi32>
          %shift_left3A_414 = arith.shli %get3A_411, %shift_left3A_413 : vector<16xi32>
          %shift_right_arithmetic3A_415 = arith.constant 16 : i32
          %shift_right_arithmetic3A_416 = vector.broadcast %shift_right_arithmetic3A_415 : i32 to vector<16xi32>
          %shift_right_arithmetic3A_417 = arith.shrsi %shift_left3A_414, %shift_right_arithmetic3A_416 : vector<16xi32>
          %shift_right_arithmetic3A_418 = arith.constant 16 : i32
          %shift_right_arithmetic3A_419 = vector.broadcast %shift_right_arithmetic3A_418 : i32 to vector<16xi32>
          %shift_right_arithmetic3A_420 = arith.shrsi %get3A_411, %shift_right_arithmetic3A_419 : vector<16xi32>
          %add3A_421 = arith.addi %add3A_377, %shift_right_arithmetic3A_417 : vector<16xi32>
          %add3A_422 = arith.addi %add3A_378, %shift_right_arithmetic3A_420 : vector<16xi32>
          %mul3A_423 = arith.constant 50 : i32
          %mul3A_424 = arith.muli %scan3A_180, %mul3A_423 : i32
          %add3A_425 = arith.addi %mul3A_424, %add3A_402 : i32
          %get3A_426 = arith.constant 1 : i32
          %get3A_427 = arith.index_cast %get3A_426 : i32 to index
          %get3A_428 = arith.index_cast %add3A_425 : i32 to index
          %get3A_429 = arith.constant 16 : index
          %get3A_430 = tpu.vector_load %arg10[%get3A_427, %get3A_428, %get3A_429] {strides = array<i32>} : memref<2x504x32xi32, #tpu.memory_space<vmem>>, vector<1x1x16xi32>,
          %get3A_431 = vector.shape_cast %get3A_430 : vector<1x1x16xi32> to vector<16xi32>
          %shift_left3A_432 = arith.constant 16 : i32
          %shift_left3A_433 = vector.broadcast %shift_left3A_432 : i32 to vector<16xi32>
          %shift_left3A_434 = arith.shli %get3A_431, %shift_left3A_433 : vector<16xi32>
          %shift_right_arithmetic3A_435 = arith.constant 16 : i32
          %shift_right_arithmetic3A_436 = vector.broadcast %shift_right_arithmetic3A_435 : i32 to vector<16xi32>
          %shift_right_arithmetic3A_437 = arith.shrsi %shift_left3A_434, %shift_right_arithmetic3A_436 : vector<16xi32>
          %shift_right_arithmetic3A_438 = arith.constant 16 : i32
          %shift_right_arithmetic3A_439 = vector.broadcast %shift_right_arithmetic3A_438 : i32 to vector<16xi32>
          %shift_right_arithmetic3A_440 = arith.shrsi %get3A_431, %shift_right_arithmetic3A_439 : vector<16xi32>
          %add3A_441 = arith.addi %add3A_397, %shift_right_arithmetic3A_437 : vector<16xi32>
          %add3A_442 = arith.addi %add3A_398, %shift_right_arithmetic3A_440 : vector<16xi32>
          scf.yield %add3A_421, %add3A_422, %add3A_441, %add3A_442 : vector<16xi32>, vector<16xi32>, vector<16xi32>, vector<16xi32>
        }
        %scan3A_187 = arith.constant 10 : i32
        %add3A_188 = arith.constant 10 : i32
        %add3A_189 = arith.addi %add3A_188, %scan3A_180 : i32
        %swap3A_190 = arith.index_cast %rem3A_67 : i32 to index
        %swap3A_191 = arith.index_cast %add3A_189 : i32 to index
        %swap3A_192 = arith.constant 0 : index
        %swap3A_193 = tpu.vector_load %arg12[%swap3A_190, %swap3A_191, %swap3A_192] {strides = array<i32>} : memref<8x20x64xi32, #tpu.memory_space<vmem>>, vector<1x1x16xi32>,
        %swap3A_194 = vector.shape_cast %swap3A_193 : vector<1x1x16xi32> to vector<16xi32>
        %swap3A_195 = vector.shape_cast %scan3A_186#0 : vector<16xi32> to vector<1x1x16xi32>
        tpu.vector_store %arg12[%swap3A_190, %swap3A_191, %swap3A_192], %swap3A_195 {strides = array<i32>} : memref<8x20x64xi32, #tpu.memory_space<vmem>>, vector<1x1x16xi32>,
        %add3A_196 = arith.constant 10 : i32
        %add3A_197 = arith.addi %add3A_196, %scan3A_180 : i32
        %swap3A_198 = arith.index_cast %rem3A_67 : i32 to index
        %swap3A_199 = arith.index_cast %add3A_197 : i32 to index
        %swap3A_200 = arith.constant 16 : index
        %swap3A_201 = tpu.vector_load %arg12[%swap3A_198, %swap3A_199, %swap3A_200] {strides = array<i32>} : memref<8x20x64xi32, #tpu.memory_space<vmem>>, vector<1x1x16xi32>,
        %swap3A_202 = vector.shape_cast %swap3A_201 : vector<1x1x16xi32> to vector<16xi32>
        %swap3A_203 = vector.shape_cast %scan3A_186#1 : vector<16xi32> to vector<1x1x16xi32>
        tpu.vector_store %arg12[%swap3A_198, %swap3A_199, %swap3A_200], %swap3A_203 {strides = array<i32>} : memref<8x20x64xi32, #tpu.memory_space<vmem>>, vector<1x1x16xi32>,
        %add3A_204 = arith.constant 10 : i32
        %add3A_205 = arith.addi %add3A_204, %scan3A_180 : i32
        %swap3A_206 = arith.index_cast %rem3A_67 : i32 to index
        %swap3A_207 = arith.index_cast %add3A_205 : i32 to index
        %swap3A_208 = arith.constant 32 : index
        %swap3A_209 = tpu.vector_load %arg12[%swap3A_206, %swap3A_207, %swap3A_208] {strides = array<i32>} : memref<8x20x64xi32, #tpu.memory_space<vmem>>, vector<1x1x16xi32>,
        %swap3A_210 = vector.shape_cast %swap3A_209 : vector<1x1x16xi32> to vector<16xi32>
        %swap3A_211 = vector.shape_cast %scan3A_186#2 : vector<16xi32> to vector<1x1x16xi32>
        tpu.vector_store %arg12[%swap3A_206, %swap3A_207, %swap3A_208], %swap3A_211 {strides = array<i32>} : memref<8x20x64xi32, #tpu.memory_space<vmem>>, vector<1x1x16xi32>,
        %add3A_212 = arith.constant 10 : i32
        %add3A_213 = arith.addi %add3A_212, %scan3A_180 : i32
        %swap3A_214 = arith.index_cast %rem3A_67 : i32 to index
        %swap3A_215 = arith.index_cast %add3A_213 : i32 to index
        %swap3A_216 = arith.constant 48 : index
        %swap3A_217 = tpu.vector_load %arg12[%swap3A_214, %swap3A_215, %swap3A_216] {strides = array<i32>} : memref<8x20x64xi32, #tpu.memory_space<vmem>>, vector<1x1x16xi32>,
        %swap3A_218 = vector.shape_cast %swap3A_217 : vector<1x1x16xi32> to vector<16xi32>
        %swap3A_219 = vector.shape_cast %scan3A_186#3 : vector<16xi32> to vector<1x1x16xi32>
        tpu.vector_store %arg12[%swap3A_214, %swap3A_215, %swap3A_216], %swap3A_219 {strides = array<i32>} : memref<8x20x64xi32, #tpu.memory_space<vmem>>, vector<1x1x16xi32>,
        %scan3A_220 = arith.constant 0 : i32
        scf.yield %scan3A_220 : i32
      }
      %scan3A_132 = arith.constant 10 : i32
      %dma_wait3A_133 = arith.constant 0 : i32
      %dma_wait3A_134 = tpu.memref_slice %arg9[%rem3A_69, %rem3A_67, %dma_wait3A_133] : memref<2x8x24xi32, #tpu.memory_space<vmem>> -> memref<1x1x24xi32, #tpu.memory_space<vmem>>
      %dma_wait3A_135 = tpu.memref_squeeze %dma_wait3A_134 : memref<1x1x24xi32, #tpu.memory_space<vmem>> -> memref<24xi32, #tpu.memory_space<vmem>>
      %dma_wait3A_136 = arith.constant 0 : i32
      %dma_wait3A_137 = arith.constant 0 : i32
      %dma_wait3A_138 = tpu.memref_slice %arg5[%dma_wait3A_136, %dma_wait3A_137] : memref<100000x32xi32, #tpu.memory_space<hbm>> -> memref<100000x32xi32, #tpu.memory_space<hbm>>
      tpu.wait_indirect_dma semaphore(%arg16 : memref<!tpu.dma_semaphore, #tpu.memory_space<semaphore_mem>>) src(%dma_wait3A_138 : memref<100000x32xi32, #tpu.memory_space<hbm>>) dst(%arg11 : memref<24x32xi32, #tpu.memory_space<vmem>>)
      %scan3A_139 = arith.constant 0 : i32
      %scan3A_140 = arith.constant 4 : i32
      %scan3A_141 = arith.addi %scan3A_139, %scan3A_140 : i32
      %scan3A_142 = arith.constant 1 : i32
      %scan3A_143:4 = scf.for %scan3A_180 = %scan3A_139 to %scan3A_141 step %scan3A_142 iter_args(%scan3A_181 = %broadcast_in_dim3A_3, %scan3A_182 = %broadcast_in_dim3A_5, %scan3A_183 = %broadcast_in_dim3A_7, %scan3A_184 = %broadcast_in_dim3A_9) -> (vector<16xi32>, vector<16xi32>, vector<16xi32>, vector<16xi32>)  : i32 {
        %mul3A_185 = arith.constant 5 : i32
        %mul3A_186 = arith.muli %scan3A_180, %mul3A_185 : i32
        %add3A_187 = arith.constant 0 : i32
        %add3A_188 = arith.addi %mul3A_186, %add3A_187 : i32
        %get3A = arith.index_cast %add3A_188 : i32 to index
        %get3A_189 = arith.constant 0 : index
        %get3A_190 = tpu.vector_load %arg11[%get3A, %get3A_189] {strides = array<i32>} : memref<24x32xi32, #tpu.memory_space<vmem>>, vector<1x16xi32>,
        %get3A_191 = vector.shape_cast %get3A_190 : vector<1x16xi32> to vector<16xi32>
        %shift_left3A = arith.constant 16 : i32
        %shift_left3A_192 = vector.broadcast %shift_left3A : i32 to vector<16xi32>
        %shift_left3A_193 = arith.shli %get3A_191, %shift_left3A_192 : vector<16xi32>
        %shift_right_arithmetic3A = arith.constant 16 : i32
        %shift_right_arithmetic3A_194 = vector.broadcast %shift_right_arithmetic3A : i32 to vector<16xi32>
        %shift_right_arithmetic3A_195 = arith.shrsi %shift_left3A_193, %shift_right_arithmetic3A_194 : vector<16xi32>
        %shift_right_arithmetic3A_196 = arith.constant 16 : i32
        %shift_right_arithmetic3A_197 = vector.broadcast %shift_right_arithmetic3A_196 : i32 to vector<16xi32>
        %shift_right_arithmetic3A_198 = arith.shrsi %get3A_191, %shift_right_arithmetic3A_197 : vector<16xi32>
        %add3A_199 = arith.addi %scan3A_181, %shift_right_arithmetic3A_195 : vector<16xi32>
        %add3A_200 = arith.addi %scan3A_182, %shift_right_arithmetic3A_198 : vector<16xi32>
        %get3A_201 = arith.index_cast %add3A_188 : i32 to index
        %get3A_202 = arith.constant 16 : index
        %get3A_203 = tpu.vector_load %arg11[%get3A_201, %get3A_202] {strides = array<i32>} : memref<24x32xi32, #tpu.memory_space<vmem>>, vector<1x16xi32>,
        %get3A_204 = vector.shape_cast %get3A_203 : vector<1x16xi32> to vector<16xi32>
        %shift_left3A_205 = arith.constant 16 : i32
        %shift_left3A_206 = vector.broadcast %shift_left3A_205 : i32 to vector<16xi32>
        %shift_left3A_207 = arith.shli %get3A_204, %shift_left3A_206 : vector<16xi32>
        %shift_right_arithmetic3A_208 = arith.constant 16 : i32
        %shift_right_arithmetic3A_209 = vector.broadcast %shift_right_arithmetic3A_208 : i32 to vector<16xi32>
        %shift_right_arithmetic3A_210 = arith.shrsi %shift_left3A_207, %shift_right_arithmetic3A_209 : vector<16xi32>
        %shift_right_arithmetic3A_211 = arith.constant 16 : i32
        %shift_right_arithmetic3A_212 = vector.broadcast %shift_right_arithmetic3A_211 : i32 to vector<16xi32>
        %shift_right_arithmetic3A_213 = arith.shrsi %get3A_204, %shift_right_arithmetic3A_212 : vector<16xi32>
        %add3A_214 = arith.addi %scan3A_183, %shift_right_arithmetic3A_210 : vector<16xi32>
        %add3A_215 = arith.addi %scan3A_184, %shift_right_arithmetic3A_213 : vector<16xi32>
        %mul3A_216 = arith.constant 5 : i32
        %mul3A_217 = arith.muli %scan3A_180, %mul3A_216 : i32
        %add3A_218 = arith.constant 1 : i32
        %add3A_219 = arith.addi %mul3A_217, %add3A_218 : i32
        %get3A_220 = arith.index_cast %add3A_219 : i32 to index
        %get3A_221 = arith.constant 0 : index
        %get3A_222 = tpu.vector_load %arg11[%get3A_220, %get3A_221] {strides = array<i32>} : memref<24x32xi32, #tpu.memory_space<vmem>>, vector<1x16xi32>,
        %get3A_223 = vector.shape_cast %get3A_222 : vector<1x16xi32> to vector<16xi32>
        %shift_left3A_224 = arith.constant 16 : i32
        %shift_left3A_225 = vector.broadcast %shift_left3A_224 : i32 to vector<16xi32>
        %shift_left3A_226 = arith.shli %get3A_223, %shift_left3A_225 : vector<16xi32>
        %shift_right_arithmetic3A_227 = arith.constant 16 : i32
        %shift_right_arithmetic3A_228 = vector.broadcast %shift_right_arithmetic3A_227 : i32 to vector<16xi32>
        %shift_right_arithmetic3A_229 = arith.shrsi %shift_left3A_226, %shift_right_arithmetic3A_228 : vector<16xi32>
        %shift_right_arithmetic3A_230 = arith.constant 16 : i32
        %shift_right_arithmetic3A_231 = vector.broadcast %shift_right_arithmetic3A_230 : i32 to vector<16xi32>
        %shift_right_arithmetic3A_232 = arith.shrsi %get3A_223, %shift_right_arithmetic3A_231 : vector<16xi32>
        %add3A_233 = arith.addi %add3A_199, %shift_right_arithmetic3A_229 : vector<16xi32>
        %add3A_234 = arith.addi %add3A_200, %shift_right_arithmetic3A_232 : vector<16xi32>
        %get3A_235 = arith.index_cast %add3A_219 : i32 to index
        %get3A_236 = arith.constant 16 : index
        %get3A_237 = tpu.vector_load %arg11[%get3A_235, %get3A_236] {strides = array<i32>} : memref<24x32xi32, #tpu.memory_space<vmem>>, vector<1x16xi32>,
        %get3A_238 = vector.shape_cast %get3A_237 : vector<1x16xi32> to vector<16xi32>
        %shift_left3A_239 = arith.constant 16 : i32
        %shift_left3A_240 = vector.broadcast %shift_left3A_239 : i32 to vector<16xi32>
        %shift_left3A_241 = arith.shli %get3A_238, %shift_left3A_240 : vector<16xi32>
        %shift_right_arithmetic3A_242 = arith.constant 16 : i32
        %shift_right_arithmetic3A_243 = vector.broadcast %shift_right_arithmetic3A_242 : i32 to vector<16xi32>
        %shift_right_arithmetic3A_244 = arith.shrsi %shift_left3A_241, %shift_right_arithmetic3A_243 : vector<16xi32>
        %shift_right_arithmetic3A_245 = arith.constant 16 : i32
        %shift_right_arithmetic3A_246 = vector.broadcast %shift_right_arithmetic3A_245 : i32 to vector<16xi32>
        %shift_right_arithmetic3A_247 = arith.shrsi %get3A_238, %shift_right_arithmetic3A_246 : vector<16xi32>
        %add3A_248 = arith.addi %add3A_214, %shift_right_arithmetic3A_244 : vector<16xi32>
        %add3A_249 = arith.addi %add3A_215, %shift_right_arithmetic3A_247 : vector<16xi32>
        %mul3A_250 = arith.constant 5 : i32
        %mul3A_251 = arith.muli %scan3A_180, %mul3A_250 : i32
        %add3A_252 = arith.constant 2 : i32
        %add3A_253 = arith.addi %mul3A_251, %add3A_252 : i32
        %get3A_254 = arith.index_cast %add3A_253 : i32 to index
        %get3A_255 = arith.constant 0 : index
        %get3A_256 = tpu.vector_load %arg11[%get3A_254, %get3A_255] {strides = array<i32>} : memref<24x32xi32, #tpu.memory_space<vmem>>, vector<1x16xi32>,
        %get3A_257 = vector.shape_cast %get3A_256 : vector<1x16xi32> to vector<16xi32>
        %shift_left3A_258 = arith.constant 16 : i32
        %shift_left3A_259 = vector.broadcast %shift_left3A_258 : i32 to vector<16xi32>
        %shift_left3A_260 = arith.shli %get3A_257, %shift_left3A_259 : vector<16xi32>
        %shift_right_arithmetic3A_261 = arith.constant 16 : i32
        %shift_right_arithmetic3A_262 = vector.broadcast %shift_right_arithmetic3A_261 : i32 to vector<16xi32>
        %shift_right_arithmetic3A_263 = arith.shrsi %shift_left3A_260, %shift_right_arithmetic3A_262 : vector<16xi32>
        %shift_right_arithmetic3A_264 = arith.constant 16 : i32
        %shift_right_arithmetic3A_265 = vector.broadcast %shift_right_arithmetic3A_264 : i32 to vector<16xi32>
        %shift_right_arithmetic3A_266 = arith.shrsi %get3A_257, %shift_right_arithmetic3A_265 : vector<16xi32>
        %add3A_267 = arith.addi %add3A_233, %shift_right_arithmetic3A_263 : vector<16xi32>
        %add3A_268 = arith.addi %add3A_234, %shift_right_arithmetic3A_266 : vector<16xi32>
        %get3A_269 = arith.index_cast %add3A_253 : i32 to index
        %get3A_270 = arith.constant 16 : index
        %get3A_271 = tpu.vector_load %arg11[%get3A_269, %get3A_270] {strides = array<i32>} : memref<24x32xi32, #tpu.memory_space<vmem>>, vector<1x16xi32>,
        %get3A_272 = vector.shape_cast %get3A_271 : vector<1x16xi32> to vector<16xi32>
        %shift_left3A_273 = arith.constant 16 : i32
        %shift_left3A_274 = vector.broadcast %shift_left3A_273 : i32 to vector<16xi32>
        %shift_left3A_275 = arith.shli %get3A_272, %shift_left3A_274 : vector<16xi32>
        %shift_right_arithmetic3A_276 = arith.constant 16 : i32
        %shift_right_arithmetic3A_277 = vector.broadcast %shift_right_arithmetic3A_276 : i32 to vector<16xi32>
        %shift_right_arithmetic3A_278 = arith.shrsi %shift_left3A_275, %shift_right_arithmetic3A_277 : vector<16xi32>
        %shift_right_arithmetic3A_279 = arith.constant 16 : i32
        %shift_right_arithmetic3A_280 = vector.broadcast %shift_right_arithmetic3A_279 : i32 to vector<16xi32>
        %shift_right_arithmetic3A_281 = arith.shrsi %get3A_272, %shift_right_arithmetic3A_280 : vector<16xi32>
        %add3A_282 = arith.addi %add3A_248, %shift_right_arithmetic3A_278 : vector<16xi32>
        %add3A_283 = arith.addi %add3A_249, %shift_right_arithmetic3A_281 : vector<16xi32>
        %mul3A_284 = arith.constant 5 : i32
        %mul3A_285 = arith.muli %scan3A_180, %mul3A_284 : i32
        %add3A_286 = arith.constant 3 : i32
        %add3A_287 = arith.addi %mul3A_285, %add3A_286 : i32
        %get3A_288 = arith.index_cast %add3A_287 : i32 to index
        %get3A_289 = arith.constant 0 : index
        %get3A_290 = tpu.vector_load %arg11[%get3A_288, %get3A_289] {strides = array<i32>} : memref<24x32xi32, #tpu.memory_space<vmem>>, vector<1x16xi32>,
        %get3A_291 = vector.shape_cast %get3A_290 : vector<1x16xi32> to vector<16xi32>
        %shift_left3A_292 = arith.constant 16 : i32
        %shift_left3A_293 = vector.broadcast %shift_left3A_292 : i32 to vector<16xi32>
        %shift_left3A_294 = arith.shli %get3A_291, %shift_left3A_293 : vector<16xi32>
        %shift_right_arithmetic3A_295 = arith.constant 16 : i32
        %shift_right_arithmetic3A_296 = vector.broadcast %shift_right_arithmetic3A_295 : i32 to vector<16xi32>
        %shift_right_arithmetic3A_297 = arith.shrsi %shift_left3A_294, %shift_right_arithmetic3A_296 : vector<16xi32>
        %shift_right_arithmetic3A_298 = arith.constant 16 : i32
        %shift_right_arithmetic3A_299 = vector.broadcast %shift_right_arithmetic3A_298 : i32 to vector<16xi32>
        %shift_right_arithmetic3A_300 = arith.shrsi %get3A_291, %shift_right_arithmetic3A_299 : vector<16xi32>
        %add3A_301 = arith.addi %add3A_267, %shift_right_arithmetic3A_297 : vector<16xi32>
        %add3A_302 = arith.addi %add3A_268, %shift_right_arithmetic3A_300 : vector<16xi32>
        %get3A_303 = arith.index_cast %add3A_287 : i32 to index
        %get3A_304 = arith.constant 16 : index
        %get3A_305 = tpu.vector_load %arg11[%get3A_303, %get3A_304] {strides = array<i32>} : memref<24x32xi32, #tpu.memory_space<vmem>>, vector<1x16xi32>,
        %get3A_306 = vector.shape_cast %get3A_305 : vector<1x16xi32> to vector<16xi32>
        %shift_left3A_307 = arith.constant 16 : i32
        %shift_left3A_308 = vector.broadcast %shift_left3A_307 : i32 to vector<16xi32>
        %shift_left3A_309 = arith.shli %get3A_306, %shift_left3A_308 : vector<16xi32>
        %shift_right_arithmetic3A_310 = arith.constant 16 : i32
        %shift_right_arithmetic3A_311 = vector.broadcast %shift_right_arithmetic3A_310 : i32 to vector<16xi32>
        %shift_right_arithmetic3A_312 = arith.shrsi %shift_left3A_309, %shift_right_arithmetic3A_311 : vector<16xi32>
        %shift_right_arithmetic3A_313 = arith.constant 16 : i32
        %shift_right_arithmetic3A_314 = vector.broadcast %shift_right_arithmetic3A_313 : i32 to vector<16xi32>
        %shift_right_arithmetic3A_315 = arith.shrsi %get3A_306, %shift_right_arithmetic3A_314 : vector<16xi32>
        %add3A_316 = arith.addi %add3A_282, %shift_right_arithmetic3A_312 : vector<16xi32>
        %add3A_317 = arith.addi %add3A_283, %shift_right_arithmetic3A_315 : vector<16xi32>
        %mul3A_318 = arith.constant 5 : i32
        %mul3A_319 = arith.muli %scan3A_180, %mul3A_318 : i32
        %add3A_320 = arith.constant 4 : i32
        %add3A_321 = arith.addi %mul3A_319, %add3A_320 : i32
        %get3A_322 = arith.index_cast %add3A_321 : i32 to index
        %get3A_323 = arith.constant 0 : index
        %get3A_324 = tpu.vector_load %arg11[%get3A_322, %get3A_323] {strides = array<i32>} : memref<24x32xi32, #tpu.memory_space<vmem>>, vector<1x16xi32>,
        %get3A_325 = vector.shape_cast %get3A_324 : vector<1x16xi32> to vector<16xi32>
        %shift_left3A_326 = arith.constant 16 : i32
        %shift_left3A_327 = vector.broadcast %shift_left3A_326 : i32 to vector<16xi32>
        %shift_left3A_328 = arith.shli %get3A_325, %shift_left3A_327 : vector<16xi32>
        %shift_right_arithmetic3A_329 = arith.constant 16 : i32
        %shift_right_arithmetic3A_330 = vector.broadcast %shift_right_arithmetic3A_329 : i32 to vector<16xi32>
        %shift_right_arithmetic3A_331 = arith.shrsi %shift_left3A_328, %shift_right_arithmetic3A_330 : vector<16xi32>
        %shift_right_arithmetic3A_332 = arith.constant 16 : i32
        %shift_right_arithmetic3A_333 = vector.broadcast %shift_right_arithmetic3A_332 : i32 to vector<16xi32>
        %shift_right_arithmetic3A_334 = arith.shrsi %get3A_325, %shift_right_arithmetic3A_333 : vector<16xi32>
        %add3A_335 = arith.addi %add3A_301, %shift_right_arithmetic3A_331 : vector<16xi32>
        %add3A_336 = arith.addi %add3A_302, %shift_right_arithmetic3A_334 : vector<16xi32>
        %get3A_337 = arith.index_cast %add3A_321 : i32 to index
        %get3A_338 = arith.constant 16 : index
        %get3A_339 = tpu.vector_load %arg11[%get3A_337, %get3A_338] {strides = array<i32>} : memref<24x32xi32, #tpu.memory_space<vmem>>, vector<1x16xi32>,
        %get3A_340 = vector.shape_cast %get3A_339 : vector<1x16xi32> to vector<16xi32>
        %shift_left3A_341 = arith.constant 16 : i32
        %shift_left3A_342 = vector.broadcast %shift_left3A_341 : i32 to vector<16xi32>
        %shift_left3A_343 = arith.shli %get3A_340, %shift_left3A_342 : vector<16xi32>
        %shift_right_arithmetic3A_344 = arith.constant 16 : i32
        %shift_right_arithmetic3A_345 = vector.broadcast %shift_right_arithmetic3A_344 : i32 to vector<16xi32>
        %shift_right_arithmetic3A_346 = arith.shrsi %shift_left3A_343, %shift_right_arithmetic3A_345 : vector<16xi32>
        %shift_right_arithmetic3A_347 = arith.constant 16 : i32
        %shift_right_arithmetic3A_348 = vector.broadcast %shift_right_arithmetic3A_347 : i32 to vector<16xi32>
        %shift_right_arithmetic3A_349 = arith.shrsi %get3A_340, %shift_right_arithmetic3A_348 : vector<16xi32>
        %add3A_350 = arith.addi %add3A_316, %shift_right_arithmetic3A_346 : vector<16xi32>
        %add3A_351 = arith.addi %add3A_317, %shift_right_arithmetic3A_349 : vector<16xi32>
        scf.yield %add3A_335, %add3A_336, %add3A_350, %add3A_351 : vector<16xi32>, vector<16xi32>, vector<16xi32>, vector<16xi32>
      }
      %scan3A_144 = arith.constant 4 : i32
      %swap3A = arith.index_cast %rem3A_67 : i32 to index
      %swap3A_145 = arith.constant 0 : index
      %swap3A_146 = tpu.vector_load %arg13[%swap3A, %swap3A_145] {strides = array<i32>} : memref<8x64xi32, #tpu.memory_space<vmem>>, vector<1x16xi32>,
      %swap3A_147 = vector.shape_cast %swap3A_146 : vector<1x16xi32> to vector<16xi32>
      %swap3A_148 = vector.shape_cast %scan3A_143#0 : vector<16xi32> to vector<1x16xi32>
      tpu.vector_store %arg13[%swap3A, %swap3A_145], %swap3A_148 {strides = array<i32>} : memref<8x64xi32, #tpu.memory_space<vmem>>, vector<1x16xi32>,
      %swap3A_149 = arith.index_cast %rem3A_67 : i32 to index
      %swap3A_150 = arith.constant 16 : index
      %swap3A_151 = tpu.vector_load %arg13[%swap3A_149, %swap3A_150] {strides = array<i32>} : memref<8x64xi32, #tpu.memory_space<vmem>>, vector<1x16xi32>,
      %swap3A_152 = vector.shape_cast %swap3A_151 : vector<1x16xi32> to vector<16xi32>
      %swap3A_153 = vector.shape_cast %scan3A_143#1 : vector<16xi32> to vector<1x16xi32>
      tpu.vector_store %arg13[%swap3A_149, %swap3A_150], %swap3A_153 {strides = array<i32>} : memref<8x64xi32, #tpu.memory_space<vmem>>, vector<1x16xi32>,
      %swap3A_154 = arith.index_cast %rem3A_67 : i32 to index
      %swap3A_155 = arith.constant 32 : index
      %swap3A_156 = tpu.vector_load %arg13[%swap3A_154, %swap3A_155] {strides = array<i32>} : memref<8x64xi32, #tpu.memory_space<vmem>>, vector<1x16xi32>,
      %swap3A_157 = vector.shape_cast %swap3A_156 : vector<1x16xi32> to vector<16xi32>
      %swap3A_158 = vector.shape_cast %scan3A_143#2 : vector<16xi32> to vector<1x16xi32>
      tpu.vector_store %arg13[%swap3A_154, %swap3A_155], %swap3A_158 {strides = array<i32>} : memref<8x64xi32, #tpu.memory_space<vmem>>, vector<1x16xi32>,
      %swap3A_159 = arith.index_cast %rem3A_67 : i32 to index
      %swap3A_160 = arith.constant 48 : index
      %swap3A_161 = tpu.vector_load %arg13[%swap3A_159, %swap3A_160] {strides = array<i32>} : memref<8x64xi32, #tpu.memory_space<vmem>>, vector<1x16xi32>,
      %swap3A_162 = vector.shape_cast %swap3A_161 : vector<1x16xi32> to vector<16xi32>
      %swap3A_163 = vector.shape_cast %scan3A_143#3 : vector<16xi32> to vector<1x16xi32>
      tpu.vector_store %arg13[%swap3A_159, %swap3A_160], %swap3A_163 {strides = array<i32>} : memref<8x64xi32, #tpu.memory_space<vmem>>, vector<1x16xi32>,
      %eq3A_164 = arith.constant 0 : i32
      %eq3A_165 = arith.cmpi eq, %rem3A_67, %eq3A_164 : i32
      %ge3A = arith.constant 1 : i32
      %ge3A_166 = arith.cmpi sge, %div3A_66, %ge3A : i32
      %and3A_167 = arith.andi %eq3A_165, %ge3A_166 : i1
      %lt3A_168 = arith.constant 15 : i32
      %lt3A_169 = arith.cmpi slt, %div3A_66, %lt3A_168 : i32
      %and3A_170 = arith.andi %and3A_167, %lt3A_169 : i1
      %convert_element_type3A_171 = arith.extui %and3A_170 : i1 to i32
      %cond3A_172 = arith.constant 0 : i32
      %cond3A_173 = arith.cmpi ne, %convert_element_type3A_171, %cond3A_172 : i32
      scf.if %cond3A_173 {
        %add3A_180 = arith.constant 1 : i32
        %add3A_181 = arith.addi %div3A_66, %add3A_180 : i32
        %mul3A_182 = arith.constant 8 : i32
        %mul3A_183 = arith.muli %add3A_181, %mul3A_182 : i32
        %add3A_184 = arith.addi %mul3A_2, %mul3A_183 : i32
        %sub3A = arith.constant 1 : i32
        %sub3A_185 = arith.subi %sub3A, %rem3A_69 : i32
        %dma_start3A_186 = arith.constant 0 : i32
        %dma_start3A_187 = arith.constant 0 : i32
        %dma_start3A_188 = arith.constant 0 : i32
        %dma_start3A_189 = tpu.memref_slice %arg8[%sub3A_185, %dma_start3A_186, %dma_start3A_187, %dma_start3A_188] : memref<2x8x2x520xi32, #tpu.memory_space<vmem>> -> memref<1x8x2x520xi32, #tpu.memory_space<vmem>>
        %dma_start3A_190 = tpu.memref_squeeze %dma_start3A_189 : memref<1x8x2x520xi32, #tpu.memory_space<vmem>> -> memref<8x2x520xi32, #tpu.memory_space<vmem>>
        %dma_start3A_191 = arith.constant 0 : i32
        %dma_start3A_192 = arith.constant 0 : i32
        %dma_start3A_193 = tpu.memref_slice %arg2[%add3A_184, %dma_start3A_191, %dma_start3A_192] : memref<4096x2x520xi32, #tpu.memory_space<hbm>> -> memref<8x2x520xi32, #tpu.memory_space<hbm>>
        %dma_start3A_194 = arith.constant 0 : i32
        %dma_start3A_195 = arith.constant 0 : i32
        %dma_start3A_196 = arith.constant 0 : i32
        %dma_start3A_197 = tpu.memref_slice %arg8[%sub3A_185, %dma_start3A_194, %dma_start3A_195, %dma_start3A_196] : memref<2x8x2x520xi32, #tpu.memory_space<vmem>> -> memref<1x8x2x520xi32, #tpu.memory_space<vmem>>
        %dma_start3A_198 = tpu.memref_squeeze %dma_start3A_197 : memref<1x8x2x520xi32, #tpu.memory_space<vmem>> -> memref<8x2x520xi32, #tpu.memory_space<vmem>>
        %dma_start3A_199 = arith.constant 0 : i32
        %dma_start3A_200 = arith.constant 0 : i32
        %dma_start3A_201 = tpu.memref_slice %arg2[%add3A_184, %dma_start3A_199, %dma_start3A_200] : memref<4096x2x520xi32, #tpu.memory_space<hbm>> -> memref<8x2x520xi32, #tpu.memory_space<hbm>>
        tpu.enqueue_dma source(%dma_start3A_201 : memref<8x2x520xi32, #tpu.memory_space<hbm>>) target(%dma_start3A_198 : memref<8x2x520xi32, #tpu.memory_space<vmem>>) target_semaphore(%arg17 : memref<!tpu.dma_semaphore, #tpu.memory_space<semaphore_mem>>)
        %sub3A_202 = arith.constant 1 : i32
        %sub3A_203 = arith.subi %sub3A_202, %rem3A_69 : i32
        %dma_start3A_204 = arith.constant 0 : i32
        %dma_start3A_205 = arith.constant 0 : i32
        %dma_start3A_206 = tpu.memref_slice %arg9[%sub3A_203, %dma_start3A_204, %dma_start3A_205] : memref<2x8x24xi32, #tpu.memory_space<vmem>> -> memref<1x8x24xi32, #tpu.memory_space<vmem>>
        %dma_start3A_207 = tpu.memref_squeeze %dma_start3A_206 : memref<1x8x24xi32, #tpu.memory_space<vmem>> -> memref<8x24xi32, #tpu.memory_space<vmem>>
        %dma_start3A_208 = arith.constant 0 : i32
        %dma_start3A_209 = tpu.memref_slice %arg3[%add3A_184, %dma_start3A_208] : memref<4096x24xi32, #tpu.memory_space<hbm>> -> memref<8x24xi32, #tpu.memory_space<hbm>>
        %dma_start3A_210 = arith.constant 0 : i32
        %dma_start3A_211 = arith.constant 0 : i32
        %dma_start3A_212 = tpu.memref_slice %arg9[%sub3A_203, %dma_start3A_210, %dma_start3A_211] : memref<2x8x24xi32, #tpu.memory_space<vmem>> -> memref<1x8x24xi32, #tpu.memory_space<vmem>>
        %dma_start3A_213 = tpu.memref_squeeze %dma_start3A_212 : memref<1x8x24xi32, #tpu.memory_space<vmem>> -> memref<8x24xi32, #tpu.memory_space<vmem>>
        %dma_start3A_214 = arith.constant 0 : i32
        %dma_start3A_215 = tpu.memref_slice %arg3[%add3A_184, %dma_start3A_214] : memref<4096x24xi32, #tpu.memory_space<hbm>> -> memref<8x24xi32, #tpu.memory_space<hbm>>
        tpu.enqueue_dma source(%dma_start3A_215 : memref<8x24xi32, #tpu.memory_space<hbm>>) target(%dma_start3A_213 : memref<8x24xi32, #tpu.memory_space<vmem>>) target_semaphore(%arg18 : memref<!tpu.dma_semaphore, #tpu.memory_space<semaphore_mem>>)
      } else {
      }
      %eq3A_174 = arith.constant 7 : i32
      %eq3A_175 = arith.cmpi eq, %rem3A_67, %eq3A_174 : i32
      %convert_element_type3A_176 = arith.extui %eq3A_175 : i1 to i32
      %cond3A_177 = arith.constant 0 : i32
      %cond3A_178 = arith.cmpi ne, %convert_element_type3A_176, %cond3A_177 : i32
      scf.if %cond3A_178 {
        %mul3A_180 = arith.constant 8 : i32
        %mul3A_181 = arith.muli %div3A_66, %mul3A_180 : i32
        %add3A_182 = arith.addi %mul3A_2, %mul3A_181 : i32
        "tpu.region"() ({
          %run_scoped3A_183 = tpu.sem_alloc : memref<!tpu.dma_semaphore, #tpu.memory_space<semaphore_mem>>
          %dma_start3A_184 = arith.constant 0 : i32
          %dma_start3A_185 = arith.constant 0 : i32
          %dma_start3A_186 = tpu.memref_slice %arg6[%add3A_182, %dma_start3A_184, %dma_start3A_185] : memref<4096x20x64xi32, #tpu.memory_space<hbm>> -> memref<8x20x64xi32, #tpu.memory_space<hbm>>
          %dma_start3A_187 = arith.constant 0 : i32
          %dma_start3A_188 = arith.constant 0 : i32
          %dma_start3A_189 = tpu.memref_slice %arg6[%add3A_182, %dma_start3A_187, %dma_start3A_188] : memref<4096x20x64xi32, #tpu.memory_space<hbm>> -> memref<8x20x64xi32, #tpu.memory_space<hbm>>
          tpu.enqueue_dma source(%arg12 : memref<8x20x64xi32, #tpu.memory_space<vmem>>) target(%dma_start3A_189 : memref<8x20x64xi32, #tpu.memory_space<hbm>>) target_semaphore(%run_scoped3A_183 : memref<!tpu.dma_semaphore, #tpu.memory_space<semaphore_mem>>)
          %dma_wait3A_190 = arith.constant 0 : i32
          %dma_wait3A_191 = arith.constant 0 : i32
          %dma_wait3A_192 = tpu.memref_slice %arg6[%add3A_182, %dma_wait3A_190, %dma_wait3A_191] : memref<4096x20x64xi32, #tpu.memory_space<hbm>> -> memref<8x20x64xi32, #tpu.memory_space<hbm>>
          %dma_wait3A_193 = arith.constant 0 : i32
          %dma_wait3A_194 = arith.constant 0 : i32
          %dma_wait3A_195 = tpu.memref_slice %arg6[%add3A_182, %dma_wait3A_193, %dma_wait3A_194] : memref<4096x20x64xi32, #tpu.memory_space<hbm>> -> memref<8x20x64xi32, #tpu.memory_space<hbm>>
          tpu.wait_dma2 semaphore(%run_scoped3A_183 : memref<!tpu.dma_semaphore, #tpu.memory_space<semaphore_mem>>) src(%arg12 : memref<8x20x64xi32, #tpu.memory_space<vmem>>) dst(%dma_wait3A_195 : memref<8x20x64xi32, #tpu.memory_space<hbm>>)
          tpu.yield
        }) : () -> ()
        "tpu.region"() ({
          %run_scoped3A_183 = tpu.sem_alloc : memref<!tpu.dma_semaphore, #tpu.memory_space<semaphore_mem>>
          %dma_start3A_184 = arith.constant 0 : i32
          %dma_start3A_185 = tpu.memref_slice %arg7[%add3A_182, %dma_start3A_184] : memref<4096x64xi32, #tpu.memory_space<hbm>> -> memref<8x64xi32, #tpu.memory_space<hbm>>
          %dma_start3A_186 = arith.constant 0 : i32
          %dma_start3A_187 = tpu.memref_slice %arg7[%add3A_182, %dma_start3A_186] : memref<4096x64xi32, #tpu.memory_space<hbm>> -> memref<8x64xi32, #tpu.memory_space<hbm>>
          tpu.enqueue_dma source(%arg13 : memref<8x64xi32, #tpu.memory_space<vmem>>) target(%dma_start3A_187 : memref<8x64xi32, #tpu.memory_space<hbm>>) target_semaphore(%run_scoped3A_183 : memref<!tpu.dma_semaphore, #tpu.memory_space<semaphore_mem>>)
          %dma_wait3A_188 = arith.constant 0 : i32
          %dma_wait3A_189 = tpu.memref_slice %arg7[%add3A_182, %dma_wait3A_188] : memref<4096x64xi32, #tpu.memory_space<hbm>> -> memref<8x64xi32, #tpu.memory_space<hbm>>
          %dma_wait3A_190 = arith.constant 0 : i32
          %dma_wait3A_191 = tpu.memref_slice %arg7[%add3A_182, %dma_wait3A_190] : memref<4096x64xi32, #tpu.memory_space<hbm>> -> memref<8x64xi32, #tpu.memory_space<hbm>>
          tpu.wait_dma2 semaphore(%run_scoped3A_183 : memref<!tpu.dma_semaphore, #tpu.memory_space<semaphore_mem>>) src(%arg13 : memref<8x64xi32, #tpu.memory_space<vmem>>) dst(%dma_wait3A_191 : memref<8x64xi32, #tpu.memory_space<hbm>>)
          tpu.yield
        }) : () -> ()
      } else {
      }
      %scan3A_179 = arith.constant 0 : i32
      scf.yield %scan3A_179 : i32
    }
    %scan3A_63 = arith.constant 128 : i32
    return
  }
}

module attributes {stable_mosaic.version = 14 : i64} {
  func.func @body(%arg0: i32, %arg1: memref<256x1280xi32, #tpu.memory_space<vmem>>, %arg2: memref<256x64xi32, #tpu.memory_space<vmem>>, %arg3: memref<1280x128xf32, #tpu.memory_space<vmem>>, %arg4: memref<1x128xf32, #tpu.memory_space<vmem>>, %arg5: memref<64x64xf32, #tpu.memory_space<vmem>>, %arg6: memref<128x64xf32, #tpu.memory_space<vmem>>, %arg7: memref<1x64xf32, #tpu.memory_space<vmem>>, %arg8: memref<64x128xf32, #tpu.memory_space<vmem>>, %arg9: memref<1x128xf32, #tpu.memory_space<vmem>>, %arg10: memref<256x128xf32, #tpu.memory_space<vmem>>) attributes {dimension_semantics = [#tpu.dimension_semantics<arbitrary>], iteration_bounds = array<i64: 16>, scalar_prefetch = 0 : i64, scratch_operands = 0 : i64, tpu.core_type = #tpu.core_type<tc>, window_params = [{transform_indices = @transform_0, window_bounds = array<i64: 256, 1280>}, {transform_indices = @transform_1, window_bounds = array<i64: 256, 64>}, {pipeline_mode = #tpu.pipeline_mode<synchronous>, transform_indices = @transform_2, window_bounds = array<i64: 1280, 128>}, {pipeline_mode = #tpu.pipeline_mode<synchronous>, transform_indices = @transform_3, window_bounds = array<i64: 1, 128>}, {pipeline_mode = #tpu.pipeline_mode<synchronous>, transform_indices = @transform_4, window_bounds = array<i64: 64, 64>}, {pipeline_mode = #tpu.pipeline_mode<synchronous>, transform_indices = @transform_5, window_bounds = array<i64: 128, 64>}, {pipeline_mode = #tpu.pipeline_mode<synchronous>, transform_indices = @transform_6, window_bounds = array<i64: 1, 64>}, {pipeline_mode = #tpu.pipeline_mode<synchronous>, transform_indices = @transform_7, window_bounds = array<i64: 64, 128>}, {pipeline_mode = #tpu.pipeline_mode<synchronous>, transform_indices = @transform_8, window_bounds = array<i64: 1, 128>}, {transform_indices = @transform_9, window_bounds = array<i64: 256, 128>}]} {
    %get3A = arith.constant 0 : index
    %get3A_0 = arith.constant 0 : index
    %get3A_1 = vector.load %arg1[%get3A, %get3A_0] : memref<256x1280xi32, #tpu.memory_space<vmem>>, vector<256x1280xi32>
    %convert_element_type3A = arith.sitofp %get3A_1 : vector<256x1280xi32> to vector<256x1280xf32>
    %get3A_2 = arith.constant 0 : index
    %get3A_3 = arith.constant 0 : index
    %get3A_4 = vector.load %arg3[%get3A_2, %get3A_3] : memref<1280x128xf32, #tpu.memory_space<vmem>>, vector<1280x128xf32>
    %dot_general3A = arith.constant dense<0.000000e+00> : vector<256x128xf32>
    %dot_general3A_5 = tpu.matmul %convert_element_type3A, %get3A_4, %dot_general3A {dimension_numbers = #tpu.dot_dimension_numbers<[1], [0], [0], [1], [0, 0, 1, 1], [], []>, transpose_lhs_hint = false} : vector<256x1280xf32>, vector<1280x128xf32>, vector<256x128xf32> -> vector<256x128xf32>
    %get3A_6 = arith.constant 0 : index
    %get3A_7 = arith.constant 0 : index
    %get3A_8 = vector.load %arg4[%get3A_6, %get3A_7] : memref<1x128xf32, #tpu.memory_space<vmem>>, vector<1x128xf32>
    %add3A = vector.broadcast %get3A_8 : vector<1x128xf32> to vector<256x128xf32>
    %add3A_9 = arith.addf %dot_general3A_5, %add3A : vector<256x128xf32>
    %max3A = arith.constant 0.000000e+00 : f32
    %max3A_10 = vector.broadcast %max3A : f32 to vector<256x128xf32>
    %max3A_11 = arith.maximumf %add3A_9, %max3A_10 : vector<256x128xf32>
    %get3A_12 = arith.constant 0 : index
    %get3A_13 = arith.constant 0 : index
    %get3A_14 = vector.load %arg2[%get3A_12, %get3A_13] : memref<256x64xi32, #tpu.memory_space<vmem>>, vector<256x64xi32>
    %get3A_15 = arith.constant 0 : index
    %get3A_16 = arith.constant 0 : index
    %get3A_17 = vector.load %arg5[%get3A_15, %get3A_16] : memref<64x64xf32, #tpu.memory_space<vmem>>, vector<64x64xf32>
    %dot_general3A_18 = arith.constant dense<0.000000e+00> : vector<256x64xf32>
    %dot_general3A_19 = tpu.matmul %get3A_14, %get3A_17, %dot_general3A_18 {dimension_numbers = #tpu.dot_dimension_numbers<[1], [0], [0], [1], [0, 0, 1, 1], [], []>, transpose_lhs_hint = false} : vector<256x64xi32>, vector<64x64xf32>, vector<256x64xf32> -> vector<256x64xf32>
    %get3A_20 = arith.constant 0 : index
    %get3A_21 = arith.constant 0 : index
    %get3A_22 = vector.load %arg6[%get3A_20, %get3A_21] : memref<128x64xf32, #tpu.memory_space<vmem>>, vector<128x64xf32>
    %dot_general3A_23 = arith.constant dense<0.000000e+00> : vector<256x64xf32>
    %dot_general3A_24 = tpu.matmul %max3A_11, %get3A_22, %dot_general3A_23 {dimension_numbers = #tpu.dot_dimension_numbers<[1], [0], [0], [1], [0, 0, 1, 1], [], []>, transpose_lhs_hint = false} : vector<256x128xf32>, vector<128x64xf32>, vector<256x64xf32> -> vector<256x64xf32>
    %add3A_25 = arith.addf %dot_general3A_19, %dot_general3A_24 : vector<256x64xf32>
    %get3A_26 = arith.constant 0 : index
    %get3A_27 = arith.constant 0 : index
    %get3A_28 = vector.load %arg7[%get3A_26, %get3A_27] : memref<1x64xf32, #tpu.memory_space<vmem>>, vector<1x64xf32>
    %add3A_29 = vector.broadcast %get3A_28 : vector<1x64xf32> to vector<256x64xf32>
    %add3A_30 = arith.addf %add3A_25, %add3A_29 : vector<256x64xf32>
    %max3A_31 = arith.constant 0.000000e+00 : f32
    %max3A_32 = vector.broadcast %max3A_31 : f32 to vector<256x64xf32>
    %max3A_33 = arith.maximumf %add3A_30, %max3A_32 : vector<256x64xf32>
    %get3A_34 = arith.constant 0 : index
    %get3A_35 = arith.constant 0 : index
    %get3A_36 = vector.load %arg8[%get3A_34, %get3A_35] : memref<64x128xf32, #tpu.memory_space<vmem>>, vector<64x128xf32>
    %dot_general3A_37 = arith.constant dense<0.000000e+00> : vector<256x128xf32>
    %dot_general3A_38 = tpu.matmul %max3A_33, %get3A_36, %dot_general3A_37 {dimension_numbers = #tpu.dot_dimension_numbers<[1], [0], [0], [1], [0, 0, 1, 1], [], []>, transpose_lhs_hint = false} : vector<256x64xf32>, vector<64x128xf32>, vector<256x128xf32> -> vector<256x128xf32>
    %get3A_39 = arith.constant 0 : index
    %get3A_40 = arith.constant 0 : index
    %get3A_41 = vector.load %arg9[%get3A_39, %get3A_40] : memref<1x128xf32, #tpu.memory_space<vmem>>, vector<1x128xf32>
    %add3A_42 = vector.broadcast %get3A_41 : vector<1x128xf32> to vector<256x128xf32>
    %add3A_43 = arith.addf %dot_general3A_38, %add3A_42 : vector<256x128xf32>
    %swap3A = arith.constant 0 : index
    %swap3A_44 = arith.constant 0 : index
    %swap3A_45 = vector.load %arg10[%swap3A, %swap3A_44] : memref<256x128xf32, #tpu.memory_space<vmem>>, vector<256x128xf32>
    tpu.vector_store %arg10[%swap3A, %swap3A_44], %add3A_43 {strides = array<i32>} : memref<256x128xf32, #tpu.memory_space<vmem>>, vector<256x128xf32>,
    return
  }
  func.func @transform_0(%arg0: i32) -> (i32, i32) {
    %c0_i32 = arith.constant 0 : i32
    %c0_i32_0 = arith.constant 0 : i32
    return %arg0, %c0_i32 : i32, i32
  }
  func.func @transform_1(%arg0: i32) -> (i32, i32) {
    %c0_i32 = arith.constant 0 : i32
    %c0_i32_0 = arith.constant 0 : i32
    return %arg0, %c0_i32 : i32, i32
  }
  func.func @transform_2(%arg0: i32) -> (i32, i32) {
    %c0_i32 = arith.constant 0 : i32
    %c0_i32_0 = arith.constant 0 : i32
    %c0_i32_1 = arith.constant 0 : i32
    return %c0_i32, %c0_i32_0 : i32, i32
  }
  func.func @transform_3(%arg0: i32) -> (i32, i32) {
    %c0_i32 = arith.constant 0 : i32
    %c0_i32_0 = arith.constant 0 : i32
    %c0_i32_1 = arith.constant 0 : i32
    return %c0_i32, %c0_i32_0 : i32, i32
  }
  func.func @transform_4(%arg0: i32) -> (i32, i32) {
    %c0_i32 = arith.constant 0 : i32
    %c0_i32_0 = arith.constant 0 : i32
    %c0_i32_1 = arith.constant 0 : i32
    return %c0_i32, %c0_i32_0 : i32, i32
  }
  func.func @transform_5(%arg0: i32) -> (i32, i32) {
    %c0_i32 = arith.constant 0 : i32
    %c0_i32_0 = arith.constant 0 : i32
    %c0_i32_1 = arith.constant 0 : i32
    return %c0_i32, %c0_i32_0 : i32, i32
  }
  func.func @transform_6(%arg0: i32) -> (i32, i32) {
    %c0_i32 = arith.constant 0 : i32
    %c0_i32_0 = arith.constant 0 : i32
    %c0_i32_1 = arith.constant 0 : i32
    return %c0_i32, %c0_i32_0 : i32, i32
  }
  func.func @transform_7(%arg0: i32) -> (i32, i32) {
    %c0_i32 = arith.constant 0 : i32
    %c0_i32_0 = arith.constant 0 : i32
    %c0_i32_1 = arith.constant 0 : i32
    return %c0_i32, %c0_i32_0 : i32, i32
  }
  func.func @transform_8(%arg0: i32) -> (i32, i32) {
    %c0_i32 = arith.constant 0 : i32
    %c0_i32_0 = arith.constant 0 : i32
    %c0_i32_1 = arith.constant 0 : i32
    return %c0_i32, %c0_i32_0 : i32, i32
  }
  func.func @transform_9(%arg0: i32) -> (i32, i32) {
    %c0_i32 = arith.constant 0 : i32
    %c0_i32_0 = arith.constant 0 : i32
    return %arg0, %c0_i32 : i32, i32
  }
}

</mosaic_0001>

<sc_bundles>
// kernel: gather_offload_async_start
scs
__scs_entry_jumppad:
0x0: {  	(pc) =	sbr.rel $0x88, $3  }
0x1: {  	(tag) =	ssettag $0x0;
	lr =	simm.s32 $0x1  }
0x2: {  	[smem:$0x3F97] =	sst lr;
	_ =	strace $0xD0000000  }
0x3: {  	_ = 	snop  }
0x4: {  	_ = 	snop  }
0x5: {  	_ = 	snop  }
0x6: {  	_ = 	snop  }
0x7: {  	_ = 	snop  }
__scs_overlays_trampoline_lowered:
0x8: {  	[smem:$0x3FA6] =	sst s0  }
0x9: {  	[smem:$0x3FA7] =	sst s1  }
0xa: {  	[smem:$0x3FA8] =	sst s2  }
0xb: {  	[smem:$0x3FA9] =	sst s3  }
0xc: {  	[smem:$0x3FAA] =	sst s4  }
0xd: {  	[smem:$0x3FAB] =	sst s5  }
0xe: {  	[smem:$0x3FAC] =	sst s6  }
0xf: {  	[smem:$0x3FAD] =	sst s7  }
0x10: {  	[smem:$0x3FAE] =	sst s8  }
0x11: {  	[smem:$0x3FAF] =	sst s9;
	s0 =	simm.s32 @!p0 $0x0  }
0x12: {  	s1 =	sld [smem:$0x3F95];
	s0 =	simm.s32 @p0 $0x1  }
0x13: {  	[smem:$0x3FB0] =	sst s0;
	s0 =	simm.s32 @!p1 $0x0  }
0x14: {  	s2 =	sld [smem:$0x3F94];
	s0 =	simm.s32 @p1 $0x1  }
0x15: {  	[smem:$0x3FB1] =	sst s0;
	s0 =	simm.s32 @!p2 $0x0  }
0x16: {  	s3 =	sld [smem:$0x3FDB];
	s0 =	simm.s32 @p2 $0x1  }
0x17: {  	s4 =	simm.s32 $0x1BF5;
	[smem:$0x3FB3] =	sst s0  }
0x18: {  	s0 =	sld [smem:$0x3F96];
	_ =	swait.ge [sflag:s4], $0x0  }
0x19: {  	s7 =	sld [smem:$0x3F97]  }
0x1a: {  	s8 =	sadd.s32 $0xFFFFE003, lr  }
0x1b: {  	s9 =	sadd.s32 $0xFFFFFEF7, lr;
	s5 =	simm.s32 $0xFFFFFFFF;
	p2 =	slt.u32 s8, $0xFFFFF086  }
0x1c: {  	p1 =	slt.u32 s9, $0xF7A;
	s5 =	simm.s32 @!p2 $0x0  }
0x1d: {  	s5 =	simm.s32 @p1 $0x1;
	p0 =	seq.s32 s7, s2  }
0x1e: {  	s7 =	smul.u32 @!p0 $0xF7A, s2;
	p2 =	seq.s32 @!p0 s5, $0x0  }
0x1f: {  	s9 =	smul.u32 $0xF7A, s1;
	s8 =	simm.s32 @!p0 $0x1BF5;
	p2 =	por !p2, p0  }
0x20: {  	[sflag:s8] =	ssyncset.s32 @!p0 $0xFFFFF086;
	s6 =	sadd.s32 @!p0 s3, s7;
	s7 =	simm.s32 @!p0 $0x108  }
0x21: {  	s3 =	sadd.s32 s3, s9;
	s6 =	sadd.s32 @!p0 $0x88, s6;
	s7 =	simm.s32 @p2 $0x1082  }
0x22: {  	[simem:s7], [sflag:s8] =	dma.local @!p0 [hbm:s6], $0xF7A  }
0x23: {  	s9 =	sor.u32 $0xD0000000, s2;
	s6 =	simm.s32 $0x108;
	_ =	swait.ge @!p0 [sflag:s8], $0x0  }
0x24: {  	s3 =	sadd.s32 $0x88, s3;
	s6 =	simm.s32 @!p1 $0x1082;
	[sflag:s4] =	ssyncset.s32 $0xFFFFF086  }
0x25: {  	[simem:s6], [sflag:s4] =	dma.local [hbm:s3], $0xF7A  }
0x26: {  	[smem:$0x3F97] =	sst s1;
	(tag) =	ssettag s2;
	_ =	strace s9  }
0x27: {  	s1 =	sld [smem:$0x3FA7]  }
0x28: {  	s2 =	sld [smem:$0x3FA8]  }
0x29: {  	s4 =	sld [smem:$0x3FAA]  }
0x2a: {  	p0 =	seq.s32 s5, $0x0;
	s5 =	sld [smem:$0x3FAB]  }
0x2b: {  	s6 =	sld [smem:$0x3FAC]  }
0x2c: {  	s7 =	sld [smem:$0x3FAD]  }
0x2d: {  	s3 =	simm.s32 $0x108;
	s8 =	sld [smem:$0x3FAE]  }
0x2e: {  	s3 =	simm.s32 @!p0 $0x1082;
	s9 =	sld [smem:$0x3FAF]  }
0x2f: {  	lr =	sadd.s32 s0, s3;
	s0 =	sld [smem:$0x3FA6]  }
0x30: {  	s3 =	sld [smem:$0x3FA9]  }
0x31: {  	[smem:$0x3FB2] =	sst s10  }
0x32: {  	s10 =	sld [smem:$0x3FB0];
	_ =	sdelay $0x3  }
0x33: {  	p0 =	seq.s32 s10, $0x1;
	s10 =	sld [smem:$0x3FB2];
	_ =	sdelay $0x3  }
0x34: {  	[smem:$0x3FB2] =	sst s10  }
0x35: {  	s10 =	sld [smem:$0x3FB1];
	_ =	sdelay $0x3  }
0x36: {  	p1 =	seq.s32 s10, $0x1;
	s10 =	sld [smem:$0x3FB2];
	_ =	sdelay $0x3  }
0x37: {  	[smem:$0x3FB2] =	sst s10  }
0x38: {  	s10 =	sld [smem:$0x3FB3]  }
0x39: {  	_ = 	snop;
	(pc) =	sbr.ind lr, $3  }
0x3a: {  	_ = 	snop  }
0x3b: {  	_ = 	snop  }
0x3c: {  	p2 =	seq.s32 s10, $0x1;
	s10 =	sld [smem:$0x3FB2]  }
0x3d: {  	_ =	shalt  }
0x3e: {  	_ =	shalt  }
0x3f: {  	_ =	shalt  }
0x40: {  	_ =	shalt  }
0x41: {  	_ =	shalt  }
0x42: {  	_ =	shalt  }
0x43: {  	_ =	shalt  }
0x44: {  	_ =	shalt  }
0x45: {  	_ =	shalt  }
0x46: {  	_ =	shalt  }
0x47: {  	_ =	shalt  }
0x48: {  	_ =	shalt  }
0x49: {  	_ =	shalt  }
0x4a: {  	_ =	shalt  }
0x4b: {  	_ =	shalt  }
0x4c: {  	_ =	shalt  }
0x4d: {  	_ =	shalt  }
0x4e: {  	_ =	shalt  }
0x4f: {  	_ =	shalt  }
0x50: {  	_ =	shalt  }
0x51: {  	_ =	shalt  }
0x52: {  	_ =	shalt  }
0x53: {  	_ =	shalt  }
0x54: {  	_ =	shalt  }
0x55: {  	_ =	shalt  }
0x56: {  	_ =	shalt  }
0x57: {  	_ =	shalt  }
0x58: {  	_ =	shalt  }
0x59: {  	_ =	shalt  }
0x5a: {  	_ =	shalt  }
0x5b: {  	_ =	shalt  }
0x5c: {  	_ =	shalt  }
0x5d: {  	_ =	shalt  }
0x5e: {  	_ =	shalt  }
0x5f: {  	_ =	shalt  }
0x60: {  	_ =	shalt  }
0x61: {  	_ =	shalt  }
0x62: {  	_ =	shalt  }
0x63: {  	_ =	shalt  }
0x64: {  	_ =	shalt  }
0x65: {  	_ =	shalt  }
0x66: {  	_ =	shalt  }
0x67: {  	_ =	shalt  }
0x68: {  	_ =	shalt  }
0x69: {  	_ =	shalt  }
0x6a: {  	_ =	shalt  }
0x6b: {  	_ =	shalt  }
0x6c: {  	_ =	shalt  }
0x6d: {  	_ =	shalt  }
0x6e: {  	_ =	shalt  }
0x6f: {  	_ =	shalt  }
0x70: {  	_ =	shalt  }
0x71: {  	_ =	shalt  }
0x72: {  	_ =	shalt  }
0x73: {  	_ =	shalt  }
0x74: {  	_ =	shalt  }
0x75: {  	_ =	shalt  }
0x76: {  	_ =	shalt  }
0x77: {  	_ =	shalt  }
0x78: {  	_ =	shalt  }
0x79: {  	_ =	shalt  }
0x7a: {  	_ =	shalt  }
0x7b: {  	_ =	shalt  }
0x7c: {  	_ =	shalt  }
0x7d: {  	_ =	shalt  }
0x7e: {  	_ =	shalt  }
0x7f: {  	_ =	shalt  }
0x80: {  	_ =	shalt  }
0x81: {  	_ =	shalt  }
0x82: {  	_ =	shalt  }
0x83: {  	_ =	shalt  }
0x84: {  	_ =	shalt  }
0x85: {  	_ =	shalt  }
0x86: {  	_ =	shalt  }
0x87: {  	_ =	shalt  }
.Lfunc_end0:
.L_simem_size_0:
called_computation_lowered:
.L_overlay_start_0:
0x88: {  	s2 =	sld [smem:$0x3FD9]  }
0x89: {  	s3 =	sld [smem:$0x3FFE];
	_ =	sdelay $0x1  }
0x8a: {  	s1 =	srdreg.scid  }
0x8b: {  	s0 =	sand.u32 $0x1, s1  }
0x8c: {  	s17 =	sshll.u32 s0, $0xA;
	s2 =	sadd.s32 s3, s2  }
0x8d: {  	s2 =	sadd.s32 s2, s17  }
0x8e: {  	[smem:$0x3FBE] =	sst s2  }
0x8f: {  	_ = 	snop  }
0x90: {  	s2 =	sld [smem:$0x3FD0];
	(tm) =	ssettm $0x1  }
0x91: {  	s18 =	sld [smem:$0x3FFB];
	_ =	sdelay $0x3  }
0x92: {  	_ =	strace s18  }
0x93: {  	s3 =	sld [smem:$0x3FFC];
	_ =	sdelay $0x3  }
0x94: {  	_ =	strace s3  }
0x95: {  	s3 =	sld [smem:$0x3FFD];
	_ =	sdelay $0x3  }
0x96: {  	_ =	strace s3  }
0x97: {  	_ =	strace $0x8FFFFFFF  }
0x98: {  	s19 =	sld [smem:$0x3FDB];
	_ =	sdelay $0x1  }
0x99: {  	s4 =	simm.s32 $_scs_section_size  }
0x9a: {  	s5 =	simm.s32 $_size__tile_overlayer_lowered;
	s6 =	simm.s32 $_tile_overlayer_lowered  }
0x9b: {  	s22 =	simm.s32 $0x1BFF;
	s21 =	sshll.u32 s6, $0x1;
	s3 =	sadd.s32 s4, s19  }
0x9c: {  	s7 =	simm.s32 $0x0;
	s20 =	sshll.u32 s5, $0x1;
	s5 =	sadd.s32 s21, s3  }
0x9d: {  	[timem:s7], [sflag:s22] =	dma.local [hbm:s5], s20  }
0x9e: {  	_ =	swait.ge [sflag:s22], s20  }
0x9f: {  	s4 =	ssub.s32 $0x0, s20;
	[sflag:s22] =	ssyncset.done $0x0  }
0xa0: {  	[sflag:s22] =	ssyncadd.s32 s4;
	_ =	sdelay $0x1  }
0xa1: {  	s23 =	simm.s32 $0x1B8B  }
0xa2: {  	_ =	swait.ge [sflag:s23], $0x1  }
0xa3: {  	[sflag:s23] =	ssyncset.done $0x0  }
0xa4: {  	s25 =	simm.s32 $0x1B8E;
	s24 =	sld [smem:$0x3FFE];
	[sflag:s23] =	ssyncadd.s32 $0xFFFFFFFF  }
0xa5: {  	s26 =	simm.s32 $execute0_lowered;
	[smem:$0x3FD2] =	sst s25  }
0xa6: {  	s5 =	sshll.u32 s26, $0x1;
	_ =	strace $0x80000046;
	[dreg:$0x1] =	wrdreg $0xFFFFFFFF  }
0xa7: {  	s28 =	simm.s32 $_size_execute0_lowered;
	s3 =	sadd.s32 s3, s5;
	[dreg:$0x0] =	wrdreg $0x0  }
0xa8: {  	s5 =	sshll.u32 s28, $0x1;
	[dreg:$0x2] =	wrdreg s3  }
0xa9: {  	[dreg:$0x3] =	wrdreg s5  }
0xaa: {  	[dreg:$0x4] =	wrdreg $0xC0  }
0xab: {  	_ =	task [dreg:s7], $0x5FFFF  }
0xac: {  	[dreg:$0x1] =	wrdreg $0xFFFFFFFF  }
0xad: {  	[dreg:$0x0] =	wrdreg $0x60  }
0xae: {  	[dreg:$0x2] =	wrdreg s24  }
0xaf: {  	[dreg:$0x3] =	wrdreg s2  }
0xb0: {  	[dreg:$0x4] =	wrdreg $0x9  }
0xb1: {  	_ =	task.clear_ibuf [dreg:s7], $0x5FFFF;
	_ =	strace $0x90000046  }
0xb2: {  	s29 =	simm.s32 $0x9;
	_ =	strace $0x80000048  }
0xb3: {  	_ =	swait.ge [sflag:s29], $0x1  }
0xb4: {  	[sflag:s29] =	ssyncadd.s32 $0xFFFFFFFF  }
0xb5: {  	_ =	strace $0x90000048  }
0xb6: {  	_ =	sfence  }
0xb7: {  	s30 =	sld [smem:$0x0];
	_ =	sdelay $0x2  }
0xb8: {  	s31 =	sshll.u32 s1, $0xD;
	s1 =	sshrl.u32 s1, $0x2  }
0xb9: {  	s3 =	sand.u32 $0x4000, s31;
	s1 =	sadd.s32 s1, s30  }
0xba: {  	s0 =	sor.u32 s3, s0;
	s1 =	sshll.u32 s1, $0x11  }
0xbb: {  	s0 =	sor.u32 s1, s0  }
0xbc: {  	s0 =	sadd.s32 $0x8F2B, s0  }
0xbd: {  	[sflag:s0] =	ssyncadd.remote.s32 $0x1  }
0xbe: {  	_ =	sfence.sel $0xFFFF  }
0xbf: {  	[dreg:$0x0] =	wrdreg $0xFFFFFFFF;
	(pc) =	sbr.abs _section_cstart, $3  }
0xc0: {  	[dreg:$0x1] =	wrdreg $0xFFFFFFFF  }
0xc1: {  	_ =	task.clear_ibuf [dreg:s7], $0x2FFFF;
	_ =	strace $0x9FFFFFFF  }
0xc2: {  	(tm) =	ssettm $0x7FFFFFFF  }
0xc3: {  	_ =	shalt  }
tec
execute0_lowered:
.L_overlay_start_1:
0x0: {  	(tag) =	ssettag $0x1  }
0x1: {  	s0 =	srdreg.scid  }
0x2: {  	s1 =	sshll.u32 s0, $0x4  }
0x3: {  	s0 =	stileid.u32;
	s1 =	sand.u32 $0x10, s1  }
0x4: {  	s9 =	rddreg [dreg:$0x0];
	s1 =	sor.u32 s0, s1  }
0x5: {  	s3 =	rddreg [dreg:$0x1];
	s2 =	smin.u32 s1, $0x8  }
0x6: {  	p0 =	slt.u32 s1, $0x8;
	s2 =	sadd.s32 s1, s2;
	s1 =	simm.s32 $0x40  }
0x7: {  	s6 =	simm.s32 $0x1;
	s2 =	sshll.u32 s2, $0x5;
	s1 =	simm.s32 @!p0 $0x20  }
0x8: {  	s7 =	simm.s32 $0x2;
	s10 =	simm.s32 $0x3;
	s4 =	sadd.s32 s1, s2  }
0x9: {  	s13 =	simm.s32 $0x0;
	s12 =	simm.s32 $0x0;
	s4 =	smin.u32 s4, $0x500  }
.Ltmp0:
0xa: {  	s5 =	sadd.s32 $0x3400, s9;
	s8 =	ssub.s32 s4, s2;
	(pc) =	sbr.rel .LBB2_1-.Ltmp0, $4  }
0xb: {  	s1 =	rddreg [dreg:$0x2];
	_ =	strace $0x80000047;
	p0 =	sgt.s32 s8, $0x0  }
0xc: {  	s9 =	sadd.s32 $0x8400, s9;
	[sflag:s6] =	ssyncpa.u1 $0x0;
	s8 =	simm.s32 @!p0 $0x0  }
0xd: {  	s11 =	smov.u32 s2;
	[sflag:s7] =	ssyncpa.u1 $0x0;
	s8 =	sshrl.u32 s8, $0x5  }
0xe: {  	vm0 =	vmmov $0xff;
	vm1 =	vcmask $0x3F20;
	[sflag:s10] =	ssyncpa.u1 $0x0;
	p0 =	por $0x0, $0x0;
	s10 =	sadd.s32 $0x1, s8  }
.LBB2_6:
0xf: {  	[hbm:s17] =	stream.linear.scatter [tilespmem:s14], [sflag:$0x3], $0x400, $0x38;
	[tilespmem:$0x2040] =	vst v63  }
.LBB2_7:
0x10: {  	s13 =	sadd.s32 $0x20, s11  }
0x11: {  	s15 =	smov.u32 s2;
	p2 =	slt.s32 s13, s4  }
0x12: {  	s15 =	smov.u32 @p2 s13;
	p2 =	sne.s32 s12, s10  }
.Ltmp1:
0x13: {  	p1 =	slt.u32 s12, $0x2;
	(pc) =	sbr.rel @!p2 .LBB2_8-.Ltmp1, $4  }
0x14: {  	s14 =	simm.s32 @!p1 $0x3  }
0x15: {  	s16 =	sadd.s32 $0x1, s12;
	_ =	swait.ge @!p1 [sflag:s14], $0x1000  }
0x16: {  	p0 =	por !p0, !p0;
	s13 =	smov.u32 s11;
	[sflag:s14] =	ssyncset.done @!p1 $0x0  }
0x17: {  	s12 =	smov.u32 s16;
	s11 =	smov.u32 s15;
	[sflag:s14] =	ssyncadd.s32 @!p1 $0xFFFFF000  }
.LBB2_1:
0x18: {  	p1 =	sge.u32 s12, s8  }
0x19: {  	s14 =	sxor.u32 @!p1 $0xFFFFFFFF, s12  }
0x1a: {  	s31 =	sadd.s32 $0xFFFFFFFF, s12;
	s15 =	sshrl.u32 @!p1 s11, $0x3;
	s14 =	sshll.u32 @!p1 s14, $0x5  }
0x1b: {  	s16 =	sand.u32 @!p1 $0x7, s11;
	s15 =	sadd.s32 @!p1 s3, s15;
	s14 =	sand.u32 @!p1 $0x20, s14  }
0x1c: {  	[tilespmem:s14], [sflag:$0x2] =	stream.linear.gather @!p1 [hbm4b:s15+s16], $0x20, $0x38;
	[tilespmem:$0x2040] =	vst v63  }
0x1d: {  	p1 =	sge.u32 s31, s8  }
.Ltmp2:
0x1e: {  	_ = 	snop;
	(pc) =	sbr.rel @p1 .LBB2_7-.Ltmp2, $1  }
0x1f: {  	_ =	sdelay $0x3  }
0x20: {  	s14 =	simm.s32 $0x1  }
0x21: {  	_ =	swait.ge [sflag:s7], $0x20;
	s16 =	sand.u32 $0x1, s12;
	s17 =	simm.s32 $0x0  }
0x22: {  	p1 =	por $0x1, $0x1;
	s14 =	simm.s32 @!p0 $0x0;
	[sflag:s7] =	ssyncset.done $0x0  }
0x23: {  	s15 =	sshll.u32 s16, $0x5;
	s16 =	sshll.u32 s16, $0xC;
	s14 =	sshll.u32 s14, $0xC  }
0x24: {  	[sflag:s7] =	ssyncadd.s32 $0xFFFFFFE0;
	s16 =	sor.u32 $0x40, s16;
	s14 =	sor.u32 $0x40, s14  }
.LBB2_3:
0x25: {  	s18 =	sshll.u32 s17, $0x4  }
0x26: {  	s18 =	sand.u32 $0x3FFFFFF0, s18  }
0x27: {  	s18 =	sadd.s32 s18, s15  }
0x28: {  	v0 =	vld.msk [tilespmem:s18+$0x0 ss:$0x1], $0xffff;
	_ =	sdelay $0x4  }
0x29: {  	vm2 =	vgt.s32 v0, $0x0  }
0x2a: {  	v0 =	vnsel vm2, $0x0, v0  }
0x2b: {  	v0 =	vmin.u32 v0, $0x4FF  }
0x2c: {  	v0 =	vshll.u32 v0, $0x4;
	_ =	sdelay $0x1  }
0x2d: {  	s31 =	sshll.u32 s17, $0xB  }
0x2e: {  	p2 =	por p1, p1;
	s17 =	sand.u32 $0x3FFFF800, s31  }
.Ltmp3:
0x2f: {  	s17 =	sadd.s32 s17, s16;
	(pc) =	sbr.rel @p2 .LBB2_3-.Ltmp3, $4  }
0x30: {  	[tilespmem:s17], [sflag:$0x1] =	stream.indirect_vreg.gather [hbm:s5], $0x80, v0, vm0, $0x38;
	[tilespmem:$0x2040] =	vst v63  }
0x31: {  	s17 =	sadd.s32 $0x400, s17  }
0x32: {  	[tilespmem:s17], [sflag:$0x1] =	stream.indirect_vreg.gather [hbm:s5], $0x80, v0, vm1, $0x38;
	[tilespmem:$0x2040] =	vst v63  }
0x33: {  	p1 =	por $0x0, $0x0;
	s17 =	simm.s32 $0x1  }
0x34: {  	_ =	swait.ge [sflag:s6], $0x1000;
	s13 =	sshll.u32 s13, $0x4  }
0x35: {  	s15 =	simm.s32 $0x80;
	[sflag:s6] =	ssyncset.done $0x0;
	s13 =	sadd.s32 s13, s9  }
0x36: {  	s16 =	sadd.s32 $0x400, s14;
	[sflag:s6] =	ssyncadd.s32 $0xFFFFF000;
	s17 =	sadd.s32 $0x0, s13  }
.LBB2_5:
0x37: {  	[hbm:s17] =	stream.linear.scatter [tilespmem:s14], [sflag:$0x3], $0x400, $0x38;
	[tilespmem:$0x2040] =	vst v63  }
0x38: {  	s17 =	smov.u32 s15;
	s14 =	smov.u32 s16;
	p1 =	sne.s32 s15, $0x180  }
.Ltmp4:
0x39: {  	s15 =	sadd.s32 $0x80, s15;
	(pc) =	sbr.rel @p1 .LBB2_5-.Ltmp4, $2  }
0x3a: {  	_ =	sdelay $0x2  }
0x3b: {  	s16 =	sadd.s32 $0x400, s16;
	s17 =	sadd.s32 s17, s13  }
.Ltmp5:
0x3c: {  	_ = 	snop;
	(pc) =	sbr.rel .LBB2_6-.Ltmp5, $1  }
0x3d: {  	_ =	sdelay $0x3  }
.LBB2_8:
0x3e: {  	_ =	sfence.sel $0x180000  }
0x3f: {  	s2 =	simm.s32 $0x2;
	[bflag:$0x0] =	sbarrier.arrive $0xFFFF  }
0x40: {  	s30 =	simm.s32 $0x3;
	[sflag:s2] =	ssyncpa.u1 $0x1  }
0x41: {  	s31 =	simm.s32 $0x1;
	[sflag:s30] =	ssyncpa.u1 $0x1  }
0x42: {  	[sflag:s31] =	ssyncpa.u1 $0x1  }
0x43: {  	p0 =	sne.s32 s0, $0x0;
	_ =	strace $0x90000047  }
0x44: {  	s0 =	sadd.s32 @!p0 $0x100000, s1;
	[bflag:$0x2] =	sbarrier.arrive $0xFFFF  }
0x45: {  	[sflag:s0] =	ssyncadd.tile.s32 @!p0 $0x1;
	_ =	shalt  }
.Lfunc_end2:
_tile_overlayer_lowered:
.L_overlay_start_2:
0x46: {  	(tag) =	ssettag $0x2  }
0x47: {  	s0 =	rddreg [dreg:$0x0];
	s2 =	stileid.u32  }
0x48: {  	s1 =	rddreg [dreg:$0x1];
	p0 =	sne.s32 s2, $0x0  }
0x49: {  	s3 =	rddreg [dreg:$0x2];
	[bflag:$0x3] =	sbarrier.arrive $0xFFFF;
	s2 =	simm.s32 @!p0 $0x1C01  }
0x4a: {  	[timem:s3], [sflag:s2] =	dma.local @!p0 [hbm:s0], s1  }
0x4b: {  	s0 =	simm.s32 @!p0 $0x1  }
0x4c: {  	_ =	swait.ge @!p0 [sflag:s0], s1  }
0x4d: {  	s1 =	ssub.s32 @!p0 $0x0, s1;
	[sflag:s0] =	ssyncset.done @!p0 $0x0  }
0x4e: {  	[sflag:s0] =	ssyncadd.s32 @!p0 s1  }
0x4f: {  	[bflag:$0x3] =	sbarrier.arrive $0xFFFF  }
0x50: {  	_ =	shalt  }

// kernel: kernel.4.cloned.1.call-start
scs
__scs_entry_jumppad:
0x0: {  	(pc) =	sbr.rel $0x88, $3  }
0x1: {  	(tag) =	ssettag $0x0;
	lr =	simm.s32 $0x1  }
0x2: {  	[smem:$0x3F97] =	sst lr;
	_ =	strace $0xD0000000  }
0x3: {  	_ = 	snop  }
0x4: {  	_ = 	snop  }
0x5: {  	_ = 	snop  }
0x6: {  	_ = 	snop  }
0x7: {  	_ = 	snop  }
__scs_overlays_trampoline_lowered:
0x8: {  	[smem:$0x3FA6] =	sst s0  }
0x9: {  	[smem:$0x3FA7] =	sst s1  }
0xa: {  	[smem:$0x3FA8] =	sst s2  }
0xb: {  	[smem:$0x3FA9] =	sst s3  }
0xc: {  	[smem:$0x3FAA] =	sst s4  }
0xd: {  	[smem:$0x3FAB] =	sst s5  }
0xe: {  	[smem:$0x3FAC] =	sst s6  }
0xf: {  	[smem:$0x3FAD] =	sst s7  }
0x10: {  	[smem:$0x3FAE] =	sst s8  }
0x11: {  	[smem:$0x3FAF] =	sst s9;
	s0 =	simm.s32 @!p0 $0x0  }
0x12: {  	s1 =	sld [smem:$0x3F95];
	s0 =	simm.s32 @p0 $0x1  }
0x13: {  	[smem:$0x3FB0] =	sst s0;
	s0 =	simm.s32 @!p1 $0x0  }
0x14: {  	s2 =	sld [smem:$0x3F94];
	s0 =	simm.s32 @p1 $0x1  }
0x15: {  	[smem:$0x3FB1] =	sst s0;
	s0 =	simm.s32 @!p2 $0x0  }
0x16: {  	s3 =	sld [smem:$0x3FDB];
	s0 =	simm.s32 @p2 $0x1  }
0x17: {  	s4 =	simm.s32 $0x1BF5;
	[smem:$0x3FB3] =	sst s0  }
0x18: {  	s0 =	sld [smem:$0x3F96];
	_ =	swait.ge [sflag:s4], $0x0  }
0x19: {  	s7 =	sld [smem:$0x3F97]  }
0x1a: {  	s8 =	sadd.s32 $0xFFFFE003, lr  }
0x1b: {  	s9 =	sadd.s32 $0xFFFFFEF7, lr;
	s5 =	simm.s32 $0xFFFFFFFF;
	p2 =	slt.u32 s8, $0xFFFFF086  }
0x1c: {  	p1 =	slt.u32 s9, $0xF7A;
	s5 =	simm.s32 @!p2 $0x0  }
0x1d: {  	s5 =	simm.s32 @p1 $0x1;
	p0 =	seq.s32 s7, s2  }
0x1e: {  	s7 =	smul.u32 @!p0 $0xF7A, s2;
	p2 =	seq.s32 @!p0 s5, $0x0  }
0x1f: {  	s9 =	smul.u32 $0xF7A, s1;
	s8 =	simm.s32 @!p0 $0x1BF5;
	p2 =	por !p2, p0  }
0x20: {  	[sflag:s8] =	ssyncset.s32 @!p0 $0xFFFFF086;
	s6 =	sadd.s32 @!p0 s3, s7;
	s7 =	simm.s32 @!p0 $0x108  }
0x21: {  	s3 =	sadd.s32 s3, s9;
	s6 =	sadd.s32 @!p0 $0x88, s6;
	s7 =	simm.s32 @p2 $0x1082  }
0x22: {  	[simem:s7], [sflag:s8] =	dma.local @!p0 [hbm:s6], $0xF7A  }
0x23: {  	s9 =	sor.u32 $0xD0000000, s2;
	s6 =	simm.s32 $0x108;
	_ =	swait.ge @!p0 [sflag:s8], $0x0  }
0x24: {  	s3 =	sadd.s32 $0x88, s3;
	s6 =	simm.s32 @!p1 $0x1082;
	[sflag:s4] =	ssyncset.s32 $0xFFFFF086  }
0x25: {  	[simem:s6], [sflag:s4] =	dma.local [hbm:s3], $0xF7A  }
0x26: {  	[smem:$0x3F97] =	sst s1;
	(tag) =	ssettag s2;
	_ =	strace s9  }
0x27: {  	s1 =	sld [smem:$0x3FA7]  }
0x28: {  	s2 =	sld [smem:$0x3FA8]  }
0x29: {  	s4 =	sld [smem:$0x3FAA]  }
0x2a: {  	p0 =	seq.s32 s5, $0x0;
	s5 =	sld [smem:$0x3FAB]  }
0x2b: {  	s6 =	sld [smem:$0x3FAC]  }
0x2c: {  	s7 =	sld [smem:$0x3FAD]  }
0x2d: {  	s3 =	simm.s32 $0x108;
	s8 =	sld [smem:$0x3FAE]  }
0x2e: {  	s3 =	simm.s32 @!p0 $0x1082;
	s9 =	sld [smem:$0x3FAF]  }
0x2f: {  	lr =	sadd.s32 s0, s3;
	s0 =	sld [smem:$0x3FA6]  }
0x30: {  	s3 =	sld [smem:$0x3FA9]  }
0x31: {  	[smem:$0x3FB2] =	sst s10  }
0x32: {  	s10 =	sld [smem:$0x3FB0];
	_ =	sdelay $0x3  }
0x33: {  	p0 =	seq.s32 s10, $0x1;
	s10 =	sld [smem:$0x3FB2];
	_ =	sdelay $0x3  }
0x34: {  	[smem:$0x3FB2] =	sst s10  }
0x35: {  	s10 =	sld [smem:$0x3FB1];
	_ =	sdelay $0x3  }
0x36: {  	p1 =	seq.s32 s10, $0x1;
	s10 =	sld [smem:$0x3FB2];
	_ =	sdelay $0x3  }
0x37: {  	[smem:$0x3FB2] =	sst s10  }
0x38: {  	s10 =	sld [smem:$0x3FB3]  }
0x39: {  	_ = 	snop;
	(pc) =	sbr.ind lr, $3  }
0x3a: {  	_ = 	snop  }
0x3b: {  	_ = 	snop  }
0x3c: {  	p2 =	seq.s32 s10, $0x1;
	s10 =	sld [smem:$0x3FB2]  }
0x3d: {  	_ =	shalt  }
0x3e: {  	_ =	shalt  }
0x3f: {  	_ =	shalt  }
0x40: {  	_ =	shalt  }
0x41: {  	_ =	shalt  }
0x42: {  	_ =	shalt  }
0x43: {  	_ =	shalt  }
0x44: {  	_ =	shalt  }
0x45: {  	_ =	shalt  }
0x46: {  	_ =	shalt  }
0x47: {  	_ =	shalt  }
0x48: {  	_ =	shalt  }
0x49: {  	_ =	shalt  }
0x4a: {  	_ =	shalt  }
0x4b: {  	_ =	shalt  }
0x4c: {  	_ =	shalt  }
0x4d: {  	_ =	shalt  }
0x4e: {  	_ =	shalt  }
0x4f: {  	_ =	shalt  }
0x50: {  	_ =	shalt  }
0x51: {  	_ =	shalt  }
0x52: {  	_ =	shalt  }
0x53: {  	_ =	shalt  }
0x54: {  	_ =	shalt  }
0x55: {  	_ =	shalt  }
0x56: {  	_ =	shalt  }
0x57: {  	_ =	shalt  }
0x58: {  	_ =	shalt  }
0x59: {  	_ =	shalt  }
0x5a: {  	_ =	shalt  }
0x5b: {  	_ =	shalt  }
0x5c: {  	_ =	shalt  }
0x5d: {  	_ =	shalt  }
0x5e: {  	_ =	shalt  }
0x5f: {  	_ =	shalt  }
0x60: {  	_ =	shalt  }
0x61: {  	_ =	shalt  }
0x62: {  	_ =	shalt  }
0x63: {  	_ =	shalt  }
0x64: {  	_ =	shalt  }
0x65: {  	_ =	shalt  }
0x66: {  	_ =	shalt  }
0x67: {  	_ =	shalt  }
0x68: {  	_ =	shalt  }
0x69: {  	_ =	shalt  }
0x6a: {  	_ =	shalt  }
0x6b: {  	_ =	shalt  }
0x6c: {  	_ =	shalt  }
0x6d: {  	_ =	shalt  }
0x6e: {  	_ =	shalt  }
0x6f: {  	_ =	shalt  }
0x70: {  	_ =	shalt  }
0x71: {  	_ =	shalt  }
0x72: {  	_ =	shalt  }
0x73: {  	_ =	shalt  }
0x74: {  	_ =	shalt  }
0x75: {  	_ =	shalt  }
0x76: {  	_ =	shalt  }
0x77: {  	_ =	shalt  }
0x78: {  	_ =	shalt  }
0x79: {  	_ =	shalt  }
0x7a: {  	_ =	shalt  }
0x7b: {  	_ =	shalt  }
0x7c: {  	_ =	shalt  }
0x7d: {  	_ =	shalt  }
0x7e: {  	_ =	shalt  }
0x7f: {  	_ =	shalt  }
0x80: {  	_ =	shalt  }
0x81: {  	_ =	shalt  }
0x82: {  	_ =	shalt  }
0x83: {  	_ =	shalt  }
0x84: {  	_ =	shalt  }
0x85: {  	_ =	shalt  }
0x86: {  	_ =	shalt  }
0x87: {  	_ =	shalt  }
.Lfunc_end0:
.L_simem_size_0:
called_computation.1_lowered:
.L_overlay_start_0:
0x88: {  	s2 =	sld [smem:$0x3FD9]  }
0x89: {  	s3 =	sld [smem:$0x3FFE];
	_ =	sdelay $0x1  }
0x8a: {  	s1 =	srdreg.scid  }
0x8b: {  	s0 =	sand.u32 $0x1, s1  }
0x8c: {  	s17 =	sshll.u32 s0, $0xA;
	s2 =	sadd.s32 s3, s2  }
0x8d: {  	s2 =	sadd.s32 s2, s17  }
0x8e: {  	[smem:$0x3FBE] =	sst s2  }
0x8f: {  	_ = 	snop  }
0x90: {  	(tm) =	ssettm $0x1  }
0x91: {  	s18 =	sld [smem:$0x3FFB];
	_ =	sdelay $0x3  }
0x92: {  	_ =	strace s18  }
0x93: {  	s2 =	sld [smem:$0x3FFC];
	_ =	sdelay $0x3  }
0x94: {  	_ =	strace s2  }
0x95: {  	s2 =	sld [smem:$0x3FFD];
	_ =	sdelay $0x3  }
0x96: {  	_ =	strace s2  }
0x97: {  	_ =	strace $0x8FFFFFFF  }
0x98: {  	s19 =	sld [smem:$0x3FDB];
	_ =	sdelay $0x1  }
0x99: {  	s20 =	simm.s32 $_scs_section_size  }
0x9a: {  	s4 =	simm.s32 $_size__tile_overlayer_lowered;
	s5 =	simm.s32 $_tile_overlayer_lowered  }
0x9b: {  	s6 =	simm.s32 $0x1BFF;
	s21 =	sshll.u32 s5, $0x1;
	s3 =	sadd.s32 s20, s19  }
0x9c: {  	s22 =	simm.s32 $0x0;
	s4 =	sshll.u32 s4, $0x1;
	s5 =	sadd.s32 s21, s3  }
0x9d: {  	[timem:s22], [sflag:s6] =	dma.local [hbm:s5], s4  }
0x9e: {  	_ =	swait.ge [sflag:s6], s4  }
0x9f: {  	s4 =	ssub.s32 $0x0, s4;
	[sflag:s6] =	ssyncset.done $0x0  }
0xa0: {  	[sflag:s6] =	ssyncadd.s32 s4;
	_ =	sdelay $0x1  }
0xa1: {  	s23 =	simm.s32 $0x1B8B  }
0xa2: {  	_ =	swait.ge [sflag:s23], $0x1  }
0xa3: {  	[sflag:s23] =	ssyncset.done $0x0  }
0xa4: {  	[sflag:s23] =	ssyncadd.s32 $0xFFFFFFFF  }
0xa5: {  	s4 =	sld [smem:$0x0]  }
0xa6: {  	s5 =	sand.u32 $0xFFFFFFFE, s1  }
0xa7: {  	p0 =	sne.s32 s1, s5  }
0xa8: {  	s5 =	sshll.u32 @p0 s5, $0xE  }
0xa9: {  	s5 =	sadd.s32 @p0 $0x11B8D, s5;
	s6 =	sshll.u32 @p0 s4, $0x11  }
0xaa: {  	s5 =	sor.u32 @p0 s6, s5  }
0xab: {  	[sflag:s5] =	ssyncadd.remote.s32 @p0 $0x1;
	_ =	sdelay $0x1  }
0xac: {  	s5 =	simm.s32 @p0 $0x1B8D  }
0xad: {  	_ =	swait.eq @p0 [sflag:s5], $0x1  }
0xae: {  	[sflag:s5] =	ssyncadd.s32 @p0 $0xFFFFFFFF  }
0xaf: {  	s6 =	sshll.u32 @!p0 s1, $0xE  }
0xb0: {  	s6 =	sor.u32 @!p0 $0x4000, s6;
	s5 =	simm.s32 @!p0 $0x1B8D  }
0xb1: {  	s4 =	sshll.u32 @!p0 s4, $0x11;
	s6 =	sadd.s32 @!p0 $0x11B8D, s6;
	_ =	swait.eq @!p0 [sflag:s5], $0x1  }
0xb2: {  	s4 =	sor.u32 @!p0 s4, s6;
	[sflag:s5] =	ssyncadd.s32 @!p0 $0xFFFFFFFF  }
0xb3: {  	s25 =	simm.s32 $0x1B8E;
	s24 =	sld [smem:$0x3FFE];
	[sflag:s4] =	ssyncadd.remote.s32 @!p0 $0x1  }
0xb4: {  	s26 =	simm.s32 $execute0_lowered;
	[smem:$0x3FD2] =	sst s25  }
0xb5: {  	s5 =	sshll.u32 s26, $0x1;
	_ =	strace $0x80000049;
	[dreg:$0x1] =	wrdreg $0xFFFFFFFF  }
0xb6: {  	s28 =	simm.s32 $_size_execute0_lowered;
	s3 =	sadd.s32 s3, s5;
	[dreg:$0x0] =	wrdreg $0x0  }
0xb7: {  	s5 =	sshll.u32 s28, $0x1;
	[dreg:$0x2] =	wrdreg s3  }
0xb8: {  	[dreg:$0x3] =	wrdreg s5  }
0xb9: {  	[dreg:$0x4] =	wrdreg $0xC0  }
0xba: {  	_ =	task [dreg:s22], $0x5FFFF  }
0xbb: {  	[dreg:$0x1] =	wrdreg $0xFFFFFFFF  }
0xbc: {  	[dreg:$0x0] =	wrdreg $0x60  }
0xbd: {  	[dreg:$0x2] =	wrdreg s24  }
0xbe: {  	[dreg:$0x3] =	wrdreg $0xA  }
0xbf: {  	_ =	task.clear_ibuf [dreg:s22], $0x4FFFF;
	_ =	strace $0x90000049  }
0xc0: {  	s29 =	simm.s32 $0xA;
	_ =	strace $0x8000004B  }
0xc1: {  	_ =	swait.ge [sflag:s29], $0x1  }
0xc2: {  	[sflag:s29] =	ssyncadd.s32 $0xFFFFFFFF  }
0xc3: {  	_ =	strace $0x9000004B  }
0xc4: {  	_ =	sfence  }
0xc5: {  	s30 =	sld [smem:$0x0];
	_ =	sdelay $0x2  }
0xc6: {  	s31 =	sshll.u32 s1, $0xD;
	s1 =	sshrl.u32 s1, $0x2  }
0xc7: {  	s4 =	sand.u32 $0x4000, s31;
	s1 =	sadd.s32 s1, s30  }
0xc8: {  	s0 =	sor.u32 s4, s0;
	s1 =	sshll.u32 s1, $0x11  }
0xc9: {  	s0 =	sor.u32 s1, s0  }
0xca: {  	s0 =	sadd.s32 $0x8F2B, s0  }
0xcb: {  	[sflag:s0] =	ssyncadd.remote.s32 $0x1  }
0xcc: {  	_ =	sfence.sel $0xFFFF  }
0xcd: {  	[dreg:$0x0] =	wrdreg $0xFFFFFFFF;
	(pc) =	sbr.abs _section_cstart, $3  }
0xce: {  	[dreg:$0x1] =	wrdreg $0xFFFFFFFF  }
0xcf: {  	_ =	task.clear_ibuf [dreg:s22], $0x2FFFF;
	_ =	strace $0x9FFFFFFF  }
0xd0: {  	(tm) =	ssettm $0x7FFFFFFF  }
0xd1: {  	_ =	shalt  }
tec
execute0_lowered:
.L_overlay_start_1:
0x0: {  	(tag) =	ssettag $0x1  }
0x1: {  	s0 =	rddreg [dreg:$0x0];
	s1 =	srdreg.scid  }
0x2: {  	s2 =	simm.s32 $0x0;
	s3 =	stileid.u32;
	s16 =	simm.s32 $0x6  }
0x3: {  	s20 =	simm.s32 $0x1F8;
	s21 =	simm.s32 $0x4280;
	s22 =	simm.s32 $0x18  }
0x4: {  	s23 =	simm.s32 $0xC080;
	s28 =	simm.s32 $0x5;
	s29 =	simm.s32 $0x2  }
0x5: {  	s30 =	simm.s32 $0x3;
	s31 =	simm.s32 $0x0;
	s1 =	sand.u32 $0x1, s1  }
0x6: {  	[smem:$0x7FF] =	sst s2;
	s5 =	sshll.u32 s3, $0x7;
	s3 =	sadd.s32 $0xD0C00, s0  }
0x7: {  	s6 =	sadd.s32 $0x6F000, s0;
	s7 =	sadd.s32 $0xD400, s0;
	s4 =	sshll.u32 s1, $0xB  }
0x8: {  	s9 =	sadd.s32 $0x155C00, s0;
	s10 =	sadd.s32 $0x1F5C00, s0;
	s4 =	sor.u32 s5, s4  }
0x9: {  	_ =	strace $0x8000004A;
	s1 =	ssub.s32 $0x2, s1;
	s11 =	smul.u32 $0x82, s4  }
0xa: {  	s5 =	sadd.s32 $0x152C00, s0;
	s24 =	sshrl.u32 s1, $0x1;
	s12 =	smul.u32 $0x3, s4  }
.Ltmp0:
0xb: {  	s8 =	sor.u32 $0x8, s4;
	s0 =	ssub.s32 s1, s24;
	(pc) =	sbr.rel .LBB2_1-.Ltmp0, $4  }
0xc: {  	s24 =	simm.s32 $0x8180;
	s13 =	smul.u32 $0x82, s8;
	s25 =	sadd.s32 s3, s11  }
0xd: {  	s14 =	smul.u32 $0x3, s8;
	s26 =	sadd.s32 s5, s12;
	[dreg:$0x2] =	wrdreg s25  }
0xe: {  	s15 =	smax.u32 s0, $0x1;
	[dreg:$0x3] =	wrdreg s26;
	s13 =	sadd.s32 s3, s13  }
0xf: {  	s14 =	sadd.s32 s5, s14;
	s25 =	simm.s32 $0x1;
	s26 =	simm.s32 $0x4  }
.LBB2_20:
0x10: {  	s31 =	sadd.s32 $0x1, s31  }
0x11: {  	p0 =	sne.s32 s31, s15  }
.Ltmp1:
0x12: {  	_ = 	snop;
	(pc) =	sbr.rel @!p0 .LBB2_21-.Ltmp1, $1  }
0x13: {  	_ =	sdelay $0x3  }
.LBB2_1:
0x14: {  	s0 =	rddreg [dreg:$0x2]  }
0x15: {  	[tilespmem:s2], [sflag:$0x6] =	stream.linear.gather [hbm4b:s0+s2], $0x2080, $0x38;
	[tilespmem:$0xED80] =	vst v63  }
0x16: {  	_ =	swait.ge [sflag:s16], $0x2080  }
0x17: {  	[sflag:s16] =	ssyncset.done $0x0  }
0x18: {  	s1 =	simm.s32 $0x4100;
	s17 =	rddreg [dreg:$0x3];
	[sflag:s16] =	ssyncadd.s32 $0xFFFFDF80  }
0x19: {  	[tilespmem:s1], [sflag:$0x6] =	stream.linear.gather [hbm4b:s17+s2], $0xC0, $0x38;
	[tilespmem:$0xED80] =	vst v63  }
0x1a: {  	_ =	swait.ge [sflag:s16], $0xC0  }
0x1b: {  	[sflag:s16] =	ssyncset.done $0x0  }
0x1c: {  	s18 =	simm.s32 $0x2080;
	[sflag:s16] =	ssyncadd.s32 $0xFFFFFF40  }
0x1d: {  	[tilespmem:s18], [sflag:$0x4] =	stream.linear.gather [hbm4b:s13+s2], $0x2080, $0x38;
	[tilespmem:$0xED80] =	vst v63  }
.Ltmp2:
0x1e: {  	_ = 	snop;
	(pc) =	sbr.rel .LBB2_2-.Ltmp2, $4  }
0x1f: {  	s19 =	simm.s32 $0x41C0  }
0x20: {  	[tilespmem:s19], [sflag:$0x5] =	stream.linear.gather [hbm4b:s14+s2], $0xC0, $0x38;
	[tilespmem:$0xED80] =	vst v63  }
0x21: {  	s0 =	simm.s32 $0x0  }
0x22: {  	[tilespmem:s21], [sflag:$0x1] =	stream.indirect.gather [hbm4b:s6+s20], $0x20, s2, s20, $0xb8;
	[tilespmem:$0xED80] =	vst v63  }
.LBB2_18:
0x23: {  	p0 =	sne.s32 s17, $0x7  }
0x24: {  	s1 =	sand.u32 @!p0 $0x78, s0  }
0x25: {  	s1 =	sor.u32 @!p0 s4, s1  }
0x26: {  	s11 =	smul.u32 @!p0 $0xA0, s1;
	_ =	sdelay $0x1  }
0x27: {  	s12 =	simm.s32 @!p0 $0x0;
	s17 =	simm.s32 @!p0 $0xC380;
	s11 =	sadd.s32 @!p0 s9, s11  }
0x28: {  	[hbm4b:s11+s12] =	stream.linear.scatter @!p0 [tilespmem:s17], [sflag:$0x7], $0x2800, $0x38;
	[tilespmem:$0xED80] =	vst v63  }
0x29: {  	s11 =	simm.s32 @!p0 $0x7  }
0x2a: {  	_ =	swait.ge @!p0 [sflag:s11], $0x2800  }
0x2b: {  	s1 =	sshll.u32 @!p0 s1, $0x3;
	[sflag:s11] =	ssyncset.done @!p0 $0x0  }
0x2c: {  	s1 =	sadd.s32 @!p0 s10, s1;
	[sflag:s11] =	ssyncadd.s32 @!p0 $0xFFFFD800;
	s11 =	simm.s32 @!p0 $0xEB80  }
0x2d: {  	[hbm4b:s1+s12] =	stream.linear.scatter @!p0 [tilespmem:s11], [sflag:$0x6], $0x200, $0x38;
	[tilespmem:$0xED80] =	vst v63  }
0x2e: {  	s1 =	simm.s32 @!p0 $0x6  }
0x2f: {  	_ =	swait.ge @!p0 [sflag:s1], $0x200  }
0x30: {  	[sflag:s1] =	ssyncset.done @!p0 $0x0  }
0x31: {  	[sflag:s1] =	ssyncadd.s32 @!p0 $0xFFFFFE00  }
.LBB2_19:
0x32: {  	s0 =	sadd.s32 $0x1, s0  }
0x33: {  	p0 =	sne.s32 s0, $0x80  }
.Ltmp3:
0x34: {  	_ = 	snop;
	(pc) =	sbr.rel @!p0 .LBB2_20-.Ltmp3, $1  }
0x35: {  	_ =	sdelay $0x3  }
.LBB2_2:
0x36: {  	s1 =	sshrl.u32 s0, $0x3;
	s17 =	sand.u32 $0x7, s0  }
0x37: {  	s1 =	sand.u32 $0x1, s1;
	s18 =	smul.u32 $0x60, s17  }
0x38: {  	s11 =	smul.u32 $0x300, s1  }
0x39: {  	s19 =	smul.u32 $0x1040, s17  }
0x3a: {  	s12 =	smul.u32 $0x8200, s1;
	s18 =	sshrl.u32 s18, $0x2;
	s11 =	sshrl.u32 s11, $0x2  }
0x3b: {  	s11 =	sadd.s32 s18, s11  }
0x3c: {  	s19 =	sshrl.u32 s19, $0x2;
	s18 =	sshrl.u32 s12, $0x2;
	s11 =	sadd.s32 $0x4100, s11  }
0x3d: {  	[tilespmem:s23], [sflag:$0x3] =	stream.indirect.gather [hbm4b:s7+s22], $0x20, s11, s22, $0xb8;
	[tilespmem:$0xED80] =	vst v63  }
0x3e: {  	s11 =	sadd.s32 s19, s18  }
0x3f: {  	s12 =	smul.u32 $0x1400, s17;
	s11 =	sadd.s32 $0x208, s11  }
0x40: {  	[tilespmem:s24], [sflag:$0x2] =	stream.indirect.gather [hbm4b:s6+s20], $0x20, s11, s20, $0xb8;
	[tilespmem:$0xED80] =	vst v63  }
0x41: {  	s19 =	sshrl.u32 s12, $0x2;
	_ =	swait.ge [sflag:s25], $0x3F00  }
0x42: {  	s11 =	sadd.s32 $0xC380, s19;
	[sflag:s25] =	ssyncset.done $0x0  }
0x43: {  	s18 =	simm.s32 $0x0;
	s19 =	simm.s32 $0x4280;
	v0 =	vmov s11;
	[sflag:s25] =	ssyncadd.s32 $0xFFFFC100  }
.LBB2_3:
0x44: {  	v5 =	vmov s19;
	_ =	sdelay $0x3  }
0x45: {  	s11 =	simm.s32 $0x90  }
0x46: {  	v6 =	vld.idx.msk [tilespmem:v5+s11+$0xFFFFFFF0 ss:$0x1], $0xffff  }
0x47: {  	v9 =	vld.idx.msk [tilespmem:v5+s11+$0x0 ss:$0x1], $0xffff  }
0x48: {  	v10 =	vld.idx.msk [tilespmem:v5+s11+$0xFFFFFFD0 ss:$0x1], $0xffff  }
0x49: {  	v11 =	vld.idx.msk [tilespmem:v5+s11+$0xFFFFFFE0 ss:$0x1], $0xffff  }
0x4a: {  	v15 =	vld.idx.msk [tilespmem:v5+s11+$0xFFFFFFB0 ss:$0x1], $0xffff  }
0x4b: {  	v16 =	vld.idx.msk [tilespmem:v5+s11+$0xFFFFFFC0 ss:$0x1], $0xffff  }
0x4c: {  	v14 =	vld.idx.msk [tilespmem:v5+s11+$0xFFFFFF90 ss:$0x1], $0xffff  }
0x4d: {  	v17 =	vld.idx.msk [tilespmem:v5+s11+$0xFFFFFFA0 ss:$0x1], $0xffff  }
0x4e: {  	v8 =	vimm.s32 $0x0;
	v22 =	vld.idx.msk [tilespmem:v5+s11+$0xFFFFFF70 ss:$0x1], $0xffff;
	v2 =	vshra.s32 v6, $0x10;
	v1 =	vshra.s32 v9, $0x10  }
0x4f: {  	v21 =	vld.idx.msk [tilespmem:v5+s11+$0xFFFFFF80 ss:$0x1], $0xffff;
	v4 =	vshra.s32 v10, $0x10;
	v3 =	vshra.s32 v11, $0x10;
	v18 =	vshll.u32 v6, $0x10  }
0x50: {  	v7 =	vshra.s32 v15, $0x10;
	v6 =	vshra.s32 v16, $0x10;
	v13 =	vshll.u32 v9, $0x10  }
0x51: {  	v12 =	vshra.s32 v14, $0x10;
	v20 =	vshll.u32 v10, $0x10;
	v19 =	vshll.u32 v11, $0x10  }
0x52: {  	s11 =	simm.s32 $0x4C0;
	v9 =	vimm.s32 $0x0;
	v10 =	vimm.s32 $0x0;
	v11 =	vimm.s32 $0x0  }
.LBB2_4:
0x53: {  	p0 =	sne.s32 s11, $0x18C0;
	v23 =	vshra.s32 v17, $0x10;
	v15 =	vshll.u32 v15, $0x10;
	v16 =	vshll.u32 v16, $0x10  }
0x54: {  	v24 =	vshll.u32 v22, $0x10;
	v22 =	vshra.s32 v22, $0x10;
	v25 =	vshra.s32 v21, $0x10  }
0x55: {  	s12 =	sshra.s32 s11, $0x2;
	v14 =	vshll.u32 v14, $0x10;
	v17 =	vshll.u32 v17, $0x10;
	v24 =	vshra.s32 v24, $0x10  }
0x56: {  	v21 =	vshll.u32 v21, $0x10;
	v14 =	vshra.s32 v14, $0x10;
	v8 =	vadd.s32 v8, v24;
	v26 =	vld.idx.msk [tilespmem:v5+s12+$0xFFFFFFF0 ss:$0x1], $0xffff  }
0x57: {  	v18 =	vshra.s32 v18, $0x10;
	v8 =	vadd.s32 v14, v8;
	v14 =	vshra.s32 v15, $0x10;
	v24 =	vld.idx.msk [tilespmem:v5+s12+$0x0 ss:$0x1], $0xffff  }
0x58: {  	v13 =	vshra.s32 v13, $0x10;
	v8 =	vadd.s32 v14, v8;
	v14 =	vshra.s32 v20, $0x10;
	v27 =	vld.idx.msk [tilespmem:v5+s12+$0xFFFFFFD0 ss:$0x1], $0xffff  }
0x59: {  	v19 =	vshra.s32 v19, $0x10;
	v20 =	vshra.s32 v16, $0x10;
	v8 =	vadd.s32 v14, v8;
	v28 =	vld.idx.msk [tilespmem:v5+s12+$0xFFFFFFE0 ss:$0x1], $0xffff  }
0x5a: {  	v17 =	vshra.s32 v17, $0x10;
	v14 =	vshra.s32 v21, $0x10;
	v8 =	vadd.s32 v18, v8;
	v15 =	vld.idx.msk [tilespmem:v5+s12+$0xFFFFFFB0 ss:$0x1], $0xffff  }
0x5b: {  	v9 =	vadd.s32 v9, v22;
	v11 =	vadd.s32 v11, v25;
	v10 =	vadd.s32 v10, v14;
	v16 =	vld.idx.msk [tilespmem:v5+s12+$0xFFFFFFC0 ss:$0x1], $0xffff  }
0x5c: {  	v9 =	vadd.s32 v12, v9;
	v11 =	vadd.s32 v23, v11;
	v10 =	vadd.s32 v17, v10;
	v14 =	vld.idx.msk [tilespmem:v5+s12+$0xFFFFFF90 ss:$0x1], $0xffff  }
0x5d: {  	v7 =	vadd.s32 v7, v9;
	v6 =	vadd.s32 v6, v11;
	v9 =	vadd.s32 v20, v10;
	v17 =	vld.idx.msk [tilespmem:v5+s12+$0xFFFFFFA0 ss:$0x1], $0xffff  }
0x5e: {  	v4 =	vadd.s32 v4, v7;
	v3 =	vadd.s32 v3, v6;
	v7 =	vadd.s32 v19, v9;
	v22 =	vld.idx.msk [tilespmem:v5+s12+$0xFFFFFF70 ss:$0x1], $0xffff  }
.Ltmp4:
0x5f: {  	v11 =	vadd.s32 v1, v3;
	v9 =	vadd.s32 v2, v4;
	v10 =	vadd.s32 v13, v7;
	v21 =	vld.idx.msk [tilespmem:v5+s12+$0xFFFFFF80 ss:$0x1], $0xffff;
	(pc) =	sbr.rel @p0 .LBB2_4-.Ltmp4, $4  }
0x60: {  	v2 =	vshra.s32 v26, $0x10;
	v1 =	vshra.s32 v24, $0x10  }
0x61: {  	v18 =	vshll.u32 v26, $0x10;
	v4 =	vshra.s32 v27, $0x10;
	v3 =	vshra.s32 v28, $0x10  }
0x62: {  	v13 =	vshll.u32 v24, $0x10;
	v7 =	vshra.s32 v15, $0x10;
	v6 =	vshra.s32 v16, $0x10  }
0x63: {  	s11 =	sadd.s32 $0x280, s11;
	v20 =	vshll.u32 v27, $0x10;
	v19 =	vshll.u32 v28, $0x10;
	v12 =	vshra.s32 v14, $0x10  }
0x64: {  	v5 =	vshra.s32 v17, $0x10;
	v15 =	vshll.u32 v15, $0x10;
	v16 =	vshll.u32 v16, $0x10  }
0x65: {  	v23 =	vshll.u32 v22, $0x10;
	v52 =	vshra.s32 v22, $0x10;
	v24 =	vshra.s32 v21, $0x10  }
0x66: {  	v14 =	vshll.u32 v14, $0x10;
	v53 =	vshll.u32 v17, $0x10;
	v54 =	vshll.u32 v21, $0x10  }
0x67: {  	v56 =	vshra.s32 v18, $0x10;
	v57 =	vshra.s32 v20, $0x10;
	v58 =	vshra.s32 v19, $0x10  }
0x68: {  	v23 =	vshra.s32 v23, $0x10;
	v14 =	vshra.s32 v14, $0x10;
	v55 =	vshra.s32 v15, $0x10  }
0x69: {  	v16 =	vshra.s32 v16, $0x10;
	v59 =	vshra.s32 v54, $0x10;
	v17 =	vshra.s32 v53, $0x10  }
0x6a: {  	v9 =	vadd.s32 v9, v52;
	v11 =	vadd.s32 v11, v24;
	v8 =	vadd.s32 v8, v23  }
0x6b: {  	v10 =	vadd.s32 v10, v59;
	v9 =	vadd.s32 v12, v9;
	v8 =	vadd.s32 v14, v8  }
0x6c: {  	s11 =	sshll.u32 s18, $0x6;
	s18 =	sadd.s32 $0x1, s18;
	v5 =	vadd.s32 v5, v11;
	v10 =	vadd.s32 v17, v10;
	v8 =	vadd.s32 v55, v8  }
0x6d: {  	p0 =	sne.s32 s18, $0xA;
	v7 =	vadd.s32 v7, v9;
	v5 =	vadd.s32 v6, v5;
	v8 =	vadd.s32 v57, v8  }
.Ltmp5:
0x6e: {  	s11 =	sand.u32 $0x3FFFFFC0, s11;
	v60 =	vadd.s32 v16, v10;
	v4 =	vadd.s32 v4, v7;
	v8 =	vadd.s32 v56, v8;
	(pc) =	sbr.rel @p0 .LBB2_3-.Ltmp5, $4  }
0x6f: {  	v61 =	vshra.s32 v13, $0x10;
	v62 =	vadd.s32 v58, v60;
	v2 =	vadd.s32 v2, v4;
	[tilespmem:v0+s11+$0x0 ss:$0x1] =	vst.idx.msk $0xffff, v8  }
0x70: {  	v3 =	vadd.s32 v3, v5;
	v63 =	vadd.s32 v61, v62;
	[tilespmem:v0+s11+$0x10 ss:$0x1] =	vst.idx.msk $0xffff, v2  }
0x71: {  	v1 =	vadd.s32 v1, v3;
	[tilespmem:v0+s11+$0x20 ss:$0x1] =	vst.idx.msk $0xffff, v63  }
0x72: {  	s19 =	sadd.s32 $0x640, s19;
	[tilespmem:v0+s11+$0x30 ss:$0x1] =	vst.idx.msk $0xffff, v1  }
0x73: {  	p0 =	sgt.u32 s0, $0x77  }
0x74: {  	p1 =	sne.s32 @!p0 s17, $0x7  }
0x75: {  	p0 =	por p0, p1  }
.Ltmp6:
0x76: {  	_ = 	snop;
	(pc) =	sbr.rel @p0 .LBB2_8-.Ltmp6, $1  }
0x77: {  	_ =	sdelay $0x3  }
0x78: {  	_ =	swait.ge [sflag:s26], $0x2080  }
0x79: {  	[sflag:s26] =	ssyncset.done $0x0  }
0x7a: {  	[sflag:s26] =	ssyncadd.s32 $0xFFFFDF80  }
0x7b: {  	_ =	swait.ge [sflag:s28], $0xC0  }
0x7c: {  	[sflag:s28] =	ssyncset.done $0x0  }
0x7d: {  	[sflag:s28] =	ssyncadd.s32 $0xFFFFFF40  }
.LBB2_9:
0x7e: {  	s11 =	sadd.s32 $0x1, s0  }
0x7f: {  	s12 =	sand.u32 $0x7, s11  }
0x80: {  	s11 =	sshll.u32 s11, $0x1C;
	s12 =	smul.u32 $0x1040, s12  }
0x81: {  	s11 =	sshra.s32 s11, $0x1F  }
0x82: {  	s11 =	sand.u32 $0x2080, s11;
	s12 =	sshrl.u32 s12, $0x2  }
0x83: {  	s11 =	sadd.s32 s12, s11  }
0x84: {  	[tilespmem:s21], [sflag:$0x1] =	stream.indirect.gather [hbm4b:s6+s20], $0x20, s11, s20, $0xb8;
	[tilespmem:$0xED80] =	vst v63  }
.LBB2_10:
0x85: {  	_ =	swait.ge [sflag:s29], $0x3F00  }
0x86: {  	[sflag:s29] =	ssyncset.done $0x0  }
0x87: {  	s18 =	simm.s32 $0x0;
	s19 =	simm.s32 $0x8210;
	[sflag:s29] =	ssyncadd.s32 $0xFFFFC100  }
.LBB2_11:
0x88: {  	v5 =	vmov s19;
	_ =	sdelay $0x3  }
0x89: {  	s11 =	simm.s32 $0x0  }
0x8a: {  	v6 =	vld.idx.msk [tilespmem:v5+s11+$0xFFFFFFF0 ss:$0x1], $0xffff  }
0x8b: {  	v9 =	vld.idx.msk [tilespmem:v5+s11+$0x0 ss:$0x1], $0xffff  }
0x8c: {  	v10 =	vld.idx.msk [tilespmem:v5+s11+$0xFFFFFFD0 ss:$0x1], $0xffff  }
0x8d: {  	v11 =	vld.idx.msk [tilespmem:v5+s11+$0xFFFFFFE0 ss:$0x1], $0xffff  }
0x8e: {  	v15 =	vld.idx.msk [tilespmem:v5+s11+$0xFFFFFFB0 ss:$0x1], $0xffff  }
0x8f: {  	v16 =	vld.idx.msk [tilespmem:v5+s11+$0xFFFFFFC0 ss:$0x1], $0xffff  }
0x90: {  	v14 =	vld.idx.msk [tilespmem:v5+s11+$0xFFFFFF90 ss:$0x1], $0xffff  }
0x91: {  	v17 =	vld.idx.msk [tilespmem:v5+s11+$0xFFFFFFA0 ss:$0x1], $0xffff  }
0x92: {  	v8 =	vimm.s32 $0x0;
	v22 =	vld.idx.msk [tilespmem:v5+s11+$0xFFFFFF70 ss:$0x1], $0xffff;
	v2 =	vshra.s32 v6, $0x10;
	v1 =	vshra.s32 v9, $0x10  }
0x93: {  	v21 =	vld.idx.msk [tilespmem:v5+s11+$0xFFFFFF80 ss:$0x1], $0xffff;
	v4 =	vshra.s32 v10, $0x10;
	v3 =	vshra.s32 v11, $0x10;
	v18 =	vshll.u32 v6, $0x10  }
0x94: {  	v7 =	vshra.s32 v15, $0x10;
	v6 =	vshra.s32 v16, $0x10;
	v13 =	vshll.u32 v9, $0x10  }
0x95: {  	v12 =	vshra.s32 v14, $0x10;
	v20 =	vshll.u32 v10, $0x10;
	v19 =	vshll.u32 v11, $0x10  }
0x96: {  	s11 =	simm.s32 $0x280;
	v9 =	vimm.s32 $0x0;
	v10 =	vimm.s32 $0x0;
	v11 =	vimm.s32 $0x0  }
.LBB2_12:
0x97: {  	p0 =	sne.s32 s11, $0x1680;
	v23 =	vshra.s32 v17, $0x10;
	v15 =	vshll.u32 v15, $0x10;
	v16 =	vshll.u32 v16, $0x10  }
0x98: {  	v24 =	vshll.u32 v22, $0x10;
	v22 =	vshra.s32 v22, $0x10;
	v25 =	vshra.s32 v21, $0x10  }
0x99: {  	s12 =	sshra.s32 s11, $0x2;
	v14 =	vshll.u32 v14, $0x10;
	v17 =	vshll.u32 v17, $0x10;
	v24 =	vshra.s32 v24, $0x10  }
0x9a: {  	v21 =	vshll.u32 v21, $0x10;
	v14 =	vshra.s32 v14, $0x10;
	v8 =	vadd.s32 v8, v24;
	v26 =	vld.idx.msk [tilespmem:v5+s12+$0xFFFFFFF0 ss:$0x1], $0xffff  }
0x9b: {  	v18 =	vshra.s32 v18, $0x10;
	v8 =	vadd.s32 v14, v8;
	v14 =	vshra.s32 v15, $0x10;
	v24 =	vld.idx.msk [tilespmem:v5+s12+$0x0 ss:$0x1], $0xffff  }
0x9c: {  	v13 =	vshra.s32 v13, $0x10;
	v8 =	vadd.s32 v14, v8;
	v14 =	vshra.s32 v20, $0x10;
	v27 =	vld.idx.msk [tilespmem:v5+s12+$0xFFFFFFD0 ss:$0x1], $0xffff  }
0x9d: {  	v19 =	vshra.s32 v19, $0x10;
	v20 =	vshra.s32 v16, $0x10;
	v8 =	vadd.s32 v14, v8;
	v28 =	vld.idx.msk [tilespmem:v5+s12+$0xFFFFFFE0 ss:$0x1], $0xffff  }
0x9e: {  	v17 =	vshra.s32 v17, $0x10;
	v14 =	vshra.s32 v21, $0x10;
	v8 =	vadd.s32 v18, v8;
	v15 =	vld.idx.msk [tilespmem:v5+s12+$0xFFFFFFB0 ss:$0x1], $0xffff  }
0x9f: {  	v9 =	vadd.s32 v9, v22;
	v11 =	vadd.s32 v11, v25;
	v10 =	vadd.s32 v10, v14;
	v16 =	vld.idx.msk [tilespmem:v5+s12+$0xFFFFFFC0 ss:$0x1], $0xffff  }
0xa0: {  	v9 =	vadd.s32 v12, v9;
	v11 =	vadd.s32 v23, v11;
	v10 =	vadd.s32 v17, v10;
	v14 =	vld.idx.msk [tilespmem:v5+s12+$0xFFFFFF90 ss:$0x1], $0xffff  }
0xa1: {  	v7 =	vadd.s32 v7, v9;
	v6 =	vadd.s32 v6, v11;
	v9 =	vadd.s32 v20, v10;
	v17 =	vld.idx.msk [tilespmem:v5+s12+$0xFFFFFFA0 ss:$0x1], $0xffff  }
0xa2: {  	v4 =	vadd.s32 v4, v7;
	v3 =	vadd.s32 v3, v6;
	v7 =	vadd.s32 v19, v9;
	v22 =	vld.idx.msk [tilespmem:v5+s12+$0xFFFFFF70 ss:$0x1], $0xffff  }
.Ltmp7:
0xa3: {  	v11 =	vadd.s32 v1, v3;
	v9 =	vadd.s32 v2, v4;
	v10 =	vadd.s32 v13, v7;
	v21 =	vld.idx.msk [tilespmem:v5+s12+$0xFFFFFF80 ss:$0x1], $0xffff;
	(pc) =	sbr.rel @p0 .LBB2_12-.Ltmp7, $4  }
0xa4: {  	v2 =	vshra.s32 v26, $0x10;
	v1 =	vshra.s32 v24, $0x10  }
0xa5: {  	v18 =	vshll.u32 v26, $0x10;
	v4 =	vshra.s32 v27, $0x10;
	v3 =	vshra.s32 v28, $0x10  }
0xa6: {  	v13 =	vshll.u32 v24, $0x10;
	v7 =	vshra.s32 v15, $0x10;
	v6 =	vshra.s32 v16, $0x10  }
0xa7: {  	s11 =	sadd.s32 $0x280, s11;
	v20 =	vshll.u32 v27, $0x10;
	v19 =	vshll.u32 v28, $0x10;
	v12 =	vshra.s32 v14, $0x10  }
0xa8: {  	v5 =	vshra.s32 v17, $0x10;
	v15 =	vshll.u32 v15, $0x10;
	v16 =	vshll.u32 v16, $0x10  }
0xa9: {  	v23 =	vshll.u32 v22, $0x10;
	v52 =	vshra.s32 v22, $0x10;
	v24 =	vshra.s32 v21, $0x10  }
0xaa: {  	v14 =	vshll.u32 v14, $0x10;
	v53 =	vshll.u32 v17, $0x10;
	v54 =	vshll.u32 v21, $0x10  }
0xab: {  	v56 =	vshra.s32 v18, $0x10;
	v57 =	vshra.s32 v20, $0x10;
	v58 =	vshra.s32 v19, $0x10  }
0xac: {  	v23 =	vshra.s32 v23, $0x10;
	v14 =	vshra.s32 v14, $0x10;
	v55 =	vshra.s32 v15, $0x10  }
0xad: {  	v16 =	vshra.s32 v16, $0x10;
	v59 =	vshra.s32 v54, $0x10;
	v17 =	vshra.s32 v53, $0x10  }
0xae: {  	v9 =	vadd.s32 v9, v52;
	v11 =	vadd.s32 v11, v24;
	v8 =	vadd.s32 v8, v23  }
0xaf: {  	v10 =	vadd.s32 v10, v59;
	v9 =	vadd.s32 v12, v9;
	v8 =	vadd.s32 v14, v8  }
0xb0: {  	s11 =	sshll.u32 s18, $0x6;
	s18 =	sadd.s32 $0x1, s18;
	v5 =	vadd.s32 v5, v11;
	v10 =	vadd.s32 v17, v10;
	v8 =	vadd.s32 v55, v8  }
0xb1: {  	p0 =	sne.s32 s18, $0xA;
	v7 =	vadd.s32 v7, v9;
	v5 =	vadd.s32 v6, v5;
	v8 =	vadd.s32 v57, v8  }
.Ltmp8:
0xb2: {  	s11 =	sand.u32 $0x3FFFFFC0, s11;
	v60 =	vadd.s32 v16, v10;
	v4 =	vadd.s32 v4, v7;
	v8 =	vadd.s32 v56, v8;
	(pc) =	sbr.rel @p0 .LBB2_11-.Ltmp8, $4  }
0xb3: {  	v61 =	vshra.s32 v13, $0x10;
	v62 =	vadd.s32 v58, v60;
	v2 =	vadd.s32 v2, v4;
	[tilespmem:v0+s11+$0x280 ss:$0x1] =	vst.idx.msk $0xffff, v8  }
0xb4: {  	v3 =	vadd.s32 v3, v5;
	v63 =	vadd.s32 v61, v62;
	[tilespmem:v0+s11+$0x290 ss:$0x1] =	vst.idx.msk $0xffff, v2  }
0xb5: {  	v1 =	vadd.s32 v1, v3;
	[tilespmem:v0+s11+$0x2A0 ss:$0x1] =	vst.idx.msk $0xffff, v63  }
0xb6: {  	s19 =	sadd.s32 $0x640, s19;
	[tilespmem:v0+s11+$0x2B0 ss:$0x1] =	vst.idx.msk $0xffff, v1  }
0xb7: {  	_ =	swait.ge [sflag:s30], $0x300  }
0xb8: {  	[sflag:s30] =	ssyncset.done $0x0  }
0xb9: {  	s11 =	simm.s32 $0x0;
	[sflag:s30] =	ssyncadd.s32 $0xFFFFFD00  }
0xba: {  	v4 =	vld [tilespmem:s11+$0xC100]  }
0xbb: {  	v7 =	vld [tilespmem:s11+$0xC110]  }
0xbc: {  	v8 =	vld [tilespmem:s11+$0xC0E0]  }
0xbd: {  	v18 =	vld [tilespmem:s11+$0xC0C0]  }
0xbe: {  	v19 =	vld [tilespmem:s11+$0xC0D0]  }
0xbf: {  	v10 =	vld [tilespmem:s11+$0xC0F0]  }
0xc0: {  	v12 =	vld [tilespmem:s11+$0xC0A0]  }
0xc1: {  	v13 =	vld [tilespmem:s11+$0xC0B0]  }
0xc2: {  	v20 =	vld [tilespmem:s11+$0xC080];
	v1 =	vshra.s32 v4, $0x10;
	v16 =	vshll.u32 v4, $0x10;
	v5 =	vshra.s32 v18, $0x10  }
0xc3: {  	v4 =	vshra.s32 v19, $0x10;
	v21 =	vshll.u32 v18, $0x10;
	v18 =	vshll.u32 v19, $0x10;
	v19 =	vld [tilespmem:s11+$0xC090]  }
0xc4: {  	v6 =	vimm.s32 $0x0;
	v0 =	vshra.s32 v7, $0x10;
	v3 =	vshra.s32 v8, $0x10  }
0xc5: {  	v2 =	vshra.s32 v10, $0x10;
	v15 =	vshll.u32 v7, $0x10;
	v9 =	vshra.s32 v12, $0x10  }
0xc6: {  	v17 =	vshll.u32 v8, $0x10;
	v14 =	vshll.u32 v10, $0x10;
	v11 =	vshra.s32 v13, $0x10  }
0xc7: {  	s11 =	simm.s32 $0x280;
	v10 =	vimm.s32 $0x0;
	v8 =	vimm.s32 $0x0;
	v7 =	vimm.s32 $0x0  }
.LBB2_15:
0xc8: {  	p0 =	sne.s32 s11, $0x780;
	v22 =	vshll.u32 v20, $0x10;
	v20 =	vshra.s32 v20, $0x10;
	v23 =	vshra.s32 v19, $0x10  }
0xc9: {  	v12 =	vshll.u32 v12, $0x10;
	v13 =	vshll.u32 v13, $0x10;
	v22 =	vshra.s32 v22, $0x10  }
0xca: {  	s12 =	sshra.s32 s11, $0x2;
	v19 =	vshll.u32 v19, $0x10;
	v12 =	vshra.s32 v12, $0x10;
	v6 =	vadd.s32 v6, v22  }
0xcb: {  	v16 =	vshra.s32 v16, $0x10;
	v22 =	vld [tilespmem:s12+$0xC100];
	v6 =	vadd.s32 v12, v6;
	v12 =	vshra.s32 v21, $0x10  }
0xcc: {  	v15 =	vshra.s32 v15, $0x10;
	v21 =	vld [tilespmem:s12+$0xC110];
	v6 =	vadd.s32 v12, v6;
	v12 =	vshra.s32 v17, $0x10  }
0xcd: {  	v18 =	vshra.s32 v18, $0x10;
	v14 =	vshra.s32 v14, $0x10;
	v17 =	vld [tilespmem:s12+$0xC0E0];
	v6 =	vadd.s32 v12, v6  }
0xce: {  	v13 =	vshra.s32 v13, $0x10;
	v12 =	vshra.s32 v19, $0x10;
	v24 =	vld [tilespmem:s12+$0xC0F0];
	v6 =	vadd.s32 v16, v6  }
0xcf: {  	v10 =	vadd.s32 v10, v20;
	v7 =	vadd.s32 v7, v23;
	v8 =	vadd.s32 v8, v12;
	v25 =	vld [tilespmem:s12+$0xC0C0]  }
0xd0: {  	v9 =	vadd.s32 v9, v10;
	v7 =	vadd.s32 v11, v7;
	v8 =	vadd.s32 v13, v8;
	v23 =	vld [tilespmem:s12+$0xC0D0]  }
0xd1: {  	v5 =	vadd.s32 v5, v9;
	v4 =	vadd.s32 v4, v7;
	v8 =	vadd.s32 v18, v8;
	v12 =	vld [tilespmem:s12+$0xC0A0]  }
0xd2: {  	v3 =	vadd.s32 v3, v5;
	v2 =	vadd.s32 v2, v4;
	v5 =	vadd.s32 v14, v8;
	v13 =	vld [tilespmem:s12+$0xC0B0]  }
0xd3: {  	v10 =	vadd.s32 v1, v3;
	v7 =	vadd.s32 v0, v2;
	v8 =	vadd.s32 v15, v5;
	v20 =	vld [tilespmem:s12+$0xC080]  }
.Ltmp9:
0xd4: {  	v1 =	vshra.s32 v22, $0x10;
	v0 =	vshra.s32 v21, $0x10;
	v19 =	vld [tilespmem:s12+$0xC090];
	(pc) =	sbr.rel @p0 .LBB2_15-.Ltmp9, $4  }
0xd5: {  	v16 =	vshll.u32 v22, $0x10;
	v3 =	vshra.s32 v17, $0x10;
	v2 =	vshra.s32 v24, $0x10  }
0xd6: {  	v15 =	vshll.u32 v21, $0x10;
	v5 =	vshra.s32 v25, $0x10;
	v4 =	vshra.s32 v23, $0x10  }
0xd7: {  	v17 =	vshll.u32 v17, $0x10;
	v14 =	vshll.u32 v24, $0x10;
	v9 =	vshra.s32 v12, $0x10  }
0xd8: {  	s11 =	sadd.s32 $0x280, s11;
	v21 =	vshll.u32 v25, $0x10;
	v18 =	vshll.u32 v23, $0x10;
	v11 =	vshra.s32 v13, $0x10  }
0xd9: {  	v22 =	vshll.u32 v20, $0x10;
	v55 =	vshra.s32 v20, $0x10  }
0xda: {  	v23 =	vshra.s32 v19, $0x10;
	v12 =	vshll.u32 v12, $0x10;
	v13 =	vshll.u32 v13, $0x10  }
0xdb: {  	v56 =	vshll.u32 v19, $0x10;
	v57 =	vshra.s32 v21, $0x10;
	v16 =	vshra.s32 v16, $0x10  }
0xdc: {  	v58 =	vshra.s32 v17, $0x10;
	v59 =	vshra.s32 v18, $0x10;
	v60 =	vshra.s32 v14, $0x10  }
0xdd: {  	v22 =	vshra.s32 v22, $0x10;
	v12 =	vshra.s32 v12, $0x10;
	v61 =	vshra.s32 v56, $0x10  }
0xde: {  	v13 =	vshra.s32 v13, $0x10;
	v10 =	vadd.s32 v10, v55;
	v7 =	vadd.s32 v7, v23  }
0xdf: {  	p0 =	sne.s32 s17, $0x0;
	s12 =	sadd.s32 $0xFFFFFFF8, s0;
	v6 =	vadd.s32 v6, v22;
	v8 =	vadd.s32 v8, v61;
	v9 =	vadd.s32 v9, v10  }
0xe0: {  	p1 =	sgt.u32 @!p0 s12, $0x6F;
	v7 =	vadd.s32 v11, v7;
	v6 =	vadd.s32 v12, v6;
	v5 =	vadd.s32 v5, v9  }
0xe1: {  	p0 =	por p0, p1;
	v8 =	vadd.s32 v13, v8;
	v4 =	vadd.s32 v4, v7;
	v3 =	vadd.s32 v3, v5  }
.Ltmp10:
0xe2: {  	s11 =	sshll.u32 s17, $0x6;
	v6 =	vadd.s32 v57, v6;
	v2 =	vadd.s32 v2, v4;
	v1 =	vadd.s32 v1, v3;
	(pc) =	sbr.rel @p0 .LBB2_18-.Ltmp10, $4  }
0xe3: {  	v8 =	vadd.s32 v59, v8;
	v6 =	vadd.s32 v58, v6;
	v0 =	vadd.s32 v0, v2;
	[tilespmem:s11+$0xEB90] =	vst v1  }
0xe4: {  	v15 =	vshra.s32 v15, $0x10;
	v62 =	vadd.s32 v60, v8;
	v6 =	vadd.s32 v16, v6;
	[tilespmem:s11+$0xEBB0] =	vst v0  }
0xe5: {  	v63 =	vadd.s32 v15, v62;
	[tilespmem:s11+$0xEB80] =	vst v6  }
0xe6: {  	[tilespmem:s11+$0xEBA0] =	vst v63  }
0xe7: {  	s1 =	sxor.u32 $0x1, s1  }
0xe8: {  	s11 =	sadd.s32 s0, s8;
	s12 =	smul.u32 $0x8200, s1  }
0xe9: {  	s17 =	smul.u32 $0x82, s11  }
0xea: {  	s1 =	smul.u32 $0x300, s1  }
0xeb: {  	s11 =	smul.u32 $0x3, s11  }
.Ltmp11:
0xec: {  	_ = 	snop;
	(pc) =	sbr.rel .LBB2_19-.Ltmp11, $4  }
0xed: {  	s12 =	sshrl.u32 s12, $0x2;
	s17 =	sadd.s32 s3, s17;
	s1 =	sshrl.u32 s1, $0x2  }
0xee: {  	[tilespmem:s12], [sflag:$0x4] =	stream.linear.gather [hbm4b:s17+s2], $0x2080, $0x38;
	[tilespmem:$0xED80] =	vst v63  }
0xef: {  	s11 =	sadd.s32 s5, s11;
	s1 =	sor.u32 $0x4100, s1  }
0xf0: {  	[tilespmem:s1], [sflag:$0x5] =	stream.linear.gather [hbm4b:s11+s2], $0xC0, $0x38;
	[tilespmem:$0xED80] =	vst v63  }
.LBB2_8:
0xf1: {  	p0 =	seq.s32 s0, $0x7F  }
.Ltmp12:
0xf2: {  	_ = 	snop;
	(pc) =	sbr.rel @p0 .LBB2_10-.Ltmp12, $4  }
.Ltmp13:
0xf3: {  	_ = 	snop;
	(pc) =	sbr.rel @!p0 .LBB2_9-.Ltmp13, $4  }
0xf4: {  	_ = 	snop  }
0xf5: {  	_ = 	snop  }
0xf6: {  	_ = 	snop  }
0xf7: {  	_ = 	snop  }
.LBB2_21:
0xf8: {  	_ =	sfence.sel $0x180000  }
0xf9: {  	[bflag:$0x0] =	sbarrier.arrive $0xFFFF  }
0xfa: {  	_ =	strace $0x9000004A  }
0xfb: {  	s0 =	stileid.u32;
	[bflag:$0x2] =	sbarrier.arrive $0xFFFF  }
0xfc: {  	p0 =	sne.s32 s0, $0x0;
	s0 =	rddreg [dreg:$0x1]  }
0xfd: {  	s0 =	sadd.s32 @!p0 $0x100000, s0  }
0xfe: {  	[sflag:s0] =	ssyncadd.tile.s32 @!p0 $0x1;
	_ =	shalt  }
.Lfunc_end2:
_tile_overlayer_lowered:
.L_overlay_start_2:
0xff: {  	(tag) =	ssettag $0x2  }
0x100: {  	s0 =	rddreg [dreg:$0x0];
	s2 =	stileid.u32  }
0x101: {  	s1 =	rddreg [dreg:$0x1];
	p0 =	sne.s32 s2, $0x0  }
0x102: {  	s3 =	rddreg [dreg:$0x2];
	[bflag:$0x3] =	sbarrier.arrive $0xFFFF;
	s2 =	simm.s32 @!p0 $0x1C06  }
0x103: {  	[timem:s3], [sflag:s2] =	dma.local @!p0 [hbm:s0], s1  }
0x104: {  	s0 =	simm.s32 @!p0 $0x6  }
0x105: {  	_ =	swait.ge @!p0 [sflag:s0], s1  }
0x106: {  	s1 =	ssub.s32 @!p0 $0x0, s1;
	[sflag:s0] =	ssyncset.done @!p0 $0x0  }
0x107: {  	[sflag:s0] =	ssyncadd.s32 @!p0 s1  }
0x108: {  	[bflag:$0x3] =	sbarrier.arrive $0xFFFF  }
0x109: {  	_ =	shalt  }

</sc_bundles>
